<compile_context>
chip_gen: v7x
topology: tpu7x:2x2x1
jax: 0.10.2.dev20260603
libtpu: 0.0.44.dev20260713+nightly
codegen_flags: <defaults>
</compile_context>

<pallas_src>
import jax
import jax.numpy as jnp
from jax import lax
from jax.experimental import pallas as pl
from jax.experimental.pallas import tpu as pltpu
from jax.experimental.pallas import tpu_sc as plsc

BATCH = 128
EMB = 512
NCLS = 16
ALPHA = 0.1
L = 16
NSUB = 16
ROWS = BATCH // NSUB
NV = EMB // L


def _rsqrt(qv):
    qi = plsc.bitcast(qv, jnp.int32)
    yi = jnp.full((L,), 0x5F3759DF, jnp.int32) - jnp.right_shift(
        qi, jnp.full((L,), 1, jnp.int32)
    )
    y = plsc.bitcast(yi, jnp.float32)
    for _ in range(3):
        y = y * (1.5 - 0.5 * qv * y * y)
    return jnp.where(qv == 0.0, 0.0, y)


def _body(labels_hbm, pred_hbm, out_hbm, rows_v, labels_v, all_labels_v,
          loc_v, red_v, s_v, final_v, out_v, sem_rows, sem_lbl, sem_all,
          sem_stage, stage_sh, sall_sh):
    sid = lax.axis_index("s")
    fzero = jnp.zeros((L,), jnp.float32)

    base = sid * ROWS
    rows_dma = pltpu.async_copy(pred_hbm.at[pl.ds(base, ROWS)], rows_v,
                                sem_rows)
    lbl_dma = pltpu.async_copy(labels_hbm.at[pl.ds(base, ROWS)],
                               labels_v.at[pl.ds(0, ROWS)], sem_lbl)

    def zero_cls(c, _):
        def zero_chunk(j, _):
            loc_v[c, pl.ds(j * L, L)] = fzero
            return 0
        return lax.fori_loop(0, NV, zero_chunk, 0, unroll=8)

    lax.fori_loop(0, NCLS, zero_cls, 0)
    rows_dma.wait()
    lbl_dma.wait()
    lanes = lax.iota(jnp.int32, L)
    lv = labels_v[...]

    def row_body(r, _):
        def ssq_body(j, ssq):
            v = rows_v[r, pl.ds(j * L, L)]
            return ssq + v * v

        q = jnp.sum(lax.fori_loop(0, NV, ssq_body, fzero, unroll=8))
        scale = _rsqrt(jnp.broadcast_to(q, (L,)))
        lbl = jnp.broadcast_to(jnp.sum(jnp.where(lanes == r, lv, 0)),
                               (L,))

        def scat_body(j, _):
            chunk = rows_v[r, pl.ds(j * L, L)] * scale
            plsc.addupdate_scatter(loc_v, [lbl, j * L + lanes], chunk)
            return 0

        return lax.fori_loop(0, NV, scat_body, 0, unroll=8)

    lax.fori_loop(0, ROWS, row_body, 0)

    pltpu.async_copy(loc_v, stage_sh.at[sid], sem_stage).wait()

    plsc.subcore_barrier()

    pltpu.sync_copy(stage_sh.at[:, sid], red_v)

    def red_body(j, _):
        acc = red_v[0, pl.ds(j * L, L)]
        for w in range(1, NSUB):
            acc = acc + red_v[w, pl.ds(j * L, L)]
        s_v[pl.ds(j * L, L)] = acc
        return 0

    lax.fori_loop(0, NV, red_body, 0, unroll=2)
    pltpu.sync_copy(s_v, sall_sh.at[sid])

    plsc.subcore_barrier()

    @pl.when(sid == 0)
    def _finalize():
        all_dma = pltpu.async_copy(labels_hbm, all_labels_v, sem_all)
        pltpu.sync_copy(sall_sh, final_v)

        def pt_body(j, carry):
            pos_acc, tot_acc = carry

            def csum(c, inner):
                p, t = inner
                v = final_v[c, pl.ds(j * L, L)]
                return p + v * v, t + v

            pos_acc, t = lax.fori_loop(0, NCLS, csum, (pos_acc, fzero),
                                       unroll=8)
            return pos_acc, tot_acc + t * t

        pos_acc, tot_acc = lax.fori_loop(0, NV, pt_body, (fzero, fzero))
        pos_v = jnp.broadcast_to(jnp.sum(pos_acc), (L,))
        tot_v = jnp.broadcast_to(jnp.sum(tot_acc), (L,))
        all_dma.wait()

        lvs = [all_labels_v[pl.ds(j * L, L)] for j in range(BATCH // L)]

        def eq_body(c, eq_v):
            cvec = jnp.broadcast_to(c, (L,))
            cacc = fzero
            for lvj in lvs:
                cacc = cacc + jnp.where(lvj == cvec, 1.0, 0.0)
            n_c_v = jnp.broadcast_to(jnp.sum(cacc), (L,))
            return eq_v + n_c_v * n_c_v

        eq_v = lax.fori_loop(0, NCLS, eq_body, fzero)
        neq_v = float(BATCH * BATCH) - eq_v
        loss_v = jnp.maximum(pos_v / eq_v - (tot_v - pos_v) / neq_v + ALPHA,
                             0.0)
        out_v[...] = loss_v
        pltpu.sync_copy(out_v.at[pl.ds(0, 1)], out_hbm)


@jax.jit
def _triplet_sc(labels, y_pred):
    mesh = plsc.VectorSubcoreMesh(core_axis_name="c", subcore_axis_name="s",
                                  num_cores=1, num_subcores=NSUB)

    return pl.kernel(
        _body,
        out_type=jax.ShapeDtypeStruct((1,), jnp.float32),
        mesh=mesh,
        compiler_params=pltpu.CompilerParams(needs_layout_passes=False),
        scratch_types=[
            pltpu.VMEM((ROWS, EMB), jnp.float32),
            pltpu.VMEM((L,), jnp.int32),
            pltpu.VMEM((BATCH,), jnp.int32),
            pltpu.VMEM((NCLS, EMB), jnp.float32),
            pltpu.VMEM((NSUB, EMB), jnp.float32),
            pltpu.VMEM((EMB,), jnp.float32),
            pltpu.VMEM((NCLS, EMB), jnp.float32),
            pltpu.VMEM((L,), jnp.float32),
            pltpu.SemaphoreType.DMA,
            pltpu.SemaphoreType.DMA,
            pltpu.SemaphoreType.DMA,
            pltpu.SemaphoreType.DMA,
            pltpu.VMEM_SHARED((NSUB, NCLS, EMB), jnp.float32),
            pltpu.VMEM_SHARED((NCLS, EMB), jnp.float32),
        ],
    )(labels, y_pred)


def kernel(y_true, y_pred):
    labels = y_true.reshape(-1)
    out = _triplet_sc(labels, y_pred)
    return out.reshape(())

# --- scband reference (transcript-rebuilt; emitter-appended) ---
"""Pipeline reference for scband-triplet-163208757671 (READ-ONLY COPY).

The authoritative reference and input builder live on the scoring server;
editing this copy changes nothing except your own understanding.
"""

import jax, jax.numpy as jnp
import numpy as np

BATCH = 128
EMB = 512
ALPHA = 0.1


def setup_inputs(seed: int = 0) -> dict:
    key = jax.random.key(seed)
    k1, k2 = jax.random.split(key)
    y_true = jax.random.randint(k1, (BATCH, 1), 0, 16, dtype=jnp.int32)
    y_pred = jax.random.normal(k2, (BATCH, EMB), dtype=jnp.float32)
    return {"y_true": y_true, "y_pred": y_pred}


def _hard_triplet_loss(y_true, y_pred):
    # cos metric with per-vector L2 normalization (tf.math.divide_no_nan semantics)
    norms = jnp.sqrt(jnp.sum(jnp.square(y_pred), axis=-1, keepdims=True))
    normed = jnp.where(norms == 0.0, 0.0, y_pred / norms)
    # original builds all (a0, a1) index pairs via tf.meshgrid and computes
    # dot(normed[a0], normed[a1]) for each; equivalent to the full Gram matrix.
    # meshgrid 'xy' ordering gives flat[k = i*B + j] = dot(normed[j], normed[i]) = sim.T flat
    sim = normed @ normed.T
    distances = jnp.reshape(sim.T, (-1, 1))
    labels = jnp.reshape(y_true, (-1,))
    equal = jnp.reshape(labels[None, :] == labels[:, None], (-1, 1))
    eq_f = equal.astype(jnp.float32)
    neq_f = 1.0 - eq_f
    positive_dist = jnp.sum(distances * eq_f) / jnp.sum(eq_f)
    negative_dist = jnp.sum(distances * neq_f) / jnp.sum(neq_f)
    return jnp.maximum(positive_dist - negative_dist + ALPHA, 0.0)


def reference(y_true, y_pred):
    return _hard_triplet_loss(y_true, y_pred)

if __name__ == "__main__":
    import jax
    _d = setup_inputs()
    print(jax.jit(kernel)(*tuple(_d.values())))

</pallas_src>

<mosaic_0001>
#map = affine_map<(d0, d1) -> (0)>
#map1 = affine_map<(d0, d1) -> (0, 0)>
module attributes {stable_mosaic.version = 14 : i64} {
  func.func @_body(%arg0: i32, %arg1: i32, %arg2: memref<128xi32, #tpu.memory_space<hbm>>, %arg3: memref<128x512xf32, #tpu.memory_space<hbm>>, %arg4: memref<1xf32, #tpu.memory_space<hbm>>, %arg5: memref<8x512xf32, #tpu.memory_space<vmem>>, %arg6: memref<16xi32, #tpu.memory_space<vmem>>, %arg7: memref<128xi32, #tpu.memory_space<vmem>>, %arg8: memref<16x512xf32, #tpu.memory_space<vmem>>, %arg9: memref<16x512xf32, #tpu.memory_space<vmem>>, %arg10: memref<512xf32, #tpu.memory_space<vmem>>, %arg11: memref<16x512xf32, #tpu.memory_space<vmem>>, %arg12: memref<16xf32, #tpu.memory_space<vmem>>, %arg13: memref<!tpu.dma_semaphore, #tpu.memory_space<semaphore_mem>>, %arg14: memref<!tpu.dma_semaphore, #tpu.memory_space<semaphore_mem>>, %arg15: memref<!tpu.dma_semaphore, #tpu.memory_space<semaphore_mem>>, %arg16: memref<!tpu.dma_semaphore, #tpu.memory_space<semaphore_mem>>, %arg17: memref<16x16x512xf32, #tpu.memory_space<vmem_shared>>, %arg18: memref<16x512xf32, #tpu.memory_space<vmem_shared>>) attributes {dimension_semantics = [#tpu.dimension_semantics<core_parallel>, #tpu.dimension_semantics<subcore_parallel>], iteration_bounds = array<i64: 1, 16>, scalar_prefetch = 0 : i64, scratch_operands = 14 : i64, tpu.core_type = #tpu.core_type<sc_vector_subcore>, window_params = [{transform_indices = #map}, {transform_indices = #map1}, {transform_indices = #map}]} {
    %broadcast_in_dim3A = arith.constant 0.000000e+00 : f32
    %broadcast_in_dim3A_0 = vector.broadcast %broadcast_in_dim3A : f32 to vector<16xf32>
    %mul3A = arith.constant 8 : i32
    %mul3A_1 = arith.muli %arg1, %mul3A : i32
    %dma_start3A = arith.constant 0 : i32
    %dma_start3A_2 = tpu.memref_slice %arg3[%mul3A_1, %dma_start3A] : memref<128x512xf32, #tpu.memory_space<hbm>> -> memref<8x512xf32, #tpu.memory_space<hbm>>
    %dma_start3A_3 = arith.constant 0 : i32
    %dma_start3A_4 = tpu.memref_slice %arg3[%mul3A_1, %dma_start3A_3] : memref<128x512xf32, #tpu.memory_space<hbm>> -> memref<8x512xf32, #tpu.memory_space<hbm>>
    tpu.enqueue_dma source(%dma_start3A_4 : memref<8x512xf32, #tpu.memory_space<hbm>>) target(%arg5 : memref<8x512xf32, #tpu.memory_space<vmem>>) target_semaphore(%arg13 : memref<!tpu.dma_semaphore, #tpu.memory_space<semaphore_mem>>)
    %dma_start3A_5 = arith.constant 0 : i32
    %dma_start3A_6 = tpu.memref_slice %arg6[%dma_start3A_5] : memref<16xi32, #tpu.memory_space<vmem>> -> memref<8xi32, #tpu.memory_space<vmem>>
    %dma_start3A_7 = tpu.memref_slice %arg2[%mul3A_1] : memref<128xi32, #tpu.memory_space<hbm>> -> memref<8xi32, #tpu.memory_space<hbm>>
    %dma_start3A_8 = arith.constant 0 : i32
    %dma_start3A_9 = tpu.memref_slice %arg6[%dma_start3A_8] : memref<16xi32, #tpu.memory_space<vmem>> -> memref<8xi32, #tpu.memory_space<vmem>>
    %dma_start3A_10 = tpu.memref_slice %arg2[%mul3A_1] : memref<128xi32, #tpu.memory_space<hbm>> -> memref<8xi32, #tpu.memory_space<hbm>>
    tpu.enqueue_dma source(%dma_start3A_10 : memref<8xi32, #tpu.memory_space<hbm>>) target(%dma_start3A_9 : memref<8xi32, #tpu.memory_space<vmem>>) target_semaphore(%arg14 : memref<!tpu.dma_semaphore, #tpu.memory_space<semaphore_mem>>)
    %scan3A = arith.constant 0 : i32
    %scan3A_11 = arith.constant 0 : i32
    %scan3A_12 = arith.constant 16 : i32
    %scan3A_13 = arith.addi %scan3A_11, %scan3A_12 : i32
    %scan3A_14 = arith.constant 1 : i32
    %scan3A_15 = scf.for %scan3A_60 = %scan3A_11 to %scan3A_13 step %scan3A_14 iter_args(%scan3A_61 = %scan3A) -> (i32)  : i32 {
      %scan3A_62 = arith.constant 0 : i32
      %scan3A_63 = arith.constant 0 : i32
      %scan3A_64 = arith.constant 32 : i32
      %scan3A_65 = arith.addi %scan3A_63, %scan3A_64 : i32
      %scan3A_66 = arith.constant 8 : i32
      %scan3A_67 = scf.for %scan3A_69 = %scan3A_63 to %scan3A_65 step %scan3A_66 iter_args(%scan3A_70 = %scan3A_62) -> (i32)  : i32 {
        %mul3A_71 = arith.constant 16 : i32
        %mul3A_72 = arith.muli %scan3A_69, %mul3A_71 : i32
        %swap3A = arith.index_cast %scan3A_60 : i32 to index
        %swap3A_73 = arith.index_cast %mul3A_72 : i32 to index
        %swap3A_74 = tpu.vector_load %arg8[%swap3A, %swap3A_73] {strides = array<i32>} : memref<16x512xf32, #tpu.memory_space<vmem>>, vector<16xf32>,
        tpu.vector_store %arg8[%swap3A, %swap3A_73], %broadcast_in_dim3A_0 {strides = array<i32>} : memref<16x512xf32, #tpu.memory_space<vmem>>, vector<16xf32>,
        %scan3A_75 = arith.constant 0 : i32
        %scan3A_76 = arith.constant 1 : i32
        %scan3A_77 = arith.addi %scan3A_69, %scan3A_76 : i32
        %mul3A_78 = arith.constant 16 : i32
        %mul3A_79 = arith.muli %scan3A_77, %mul3A_78 : i32
        %swap3A_80 = arith.index_cast %scan3A_60 : i32 to index
        %swap3A_81 = arith.index_cast %mul3A_79 : i32 to index
        %swap3A_82 = tpu.vector_load %arg8[%swap3A_80, %swap3A_81] {strides = array<i32>} : memref<16x512xf32, #tpu.memory_space<vmem>>, vector<16xf32>,
        tpu.vector_store %arg8[%swap3A_80, %swap3A_81], %broadcast_in_dim3A_0 {strides = array<i32>} : memref<16x512xf32, #tpu.memory_space<vmem>>, vector<16xf32>,
        %scan3A_83 = arith.constant 0 : i32
        %scan3A_84 = arith.constant 2 : i32
        %scan3A_85 = arith.addi %scan3A_69, %scan3A_84 : i32
        %mul3A_86 = arith.constant 16 : i32
        %mul3A_87 = arith.muli %scan3A_85, %mul3A_86 : i32
        %swap3A_88 = arith.index_cast %scan3A_60 : i32 to index
        %swap3A_89 = arith.index_cast %mul3A_87 : i32 to index
        %swap3A_90 = tpu.vector_load %arg8[%swap3A_88, %swap3A_89] {strides = array<i32>} : memref<16x512xf32, #tpu.memory_space<vmem>>, vector<16xf32>,
        tpu.vector_store %arg8[%swap3A_88, %swap3A_89], %broadcast_in_dim3A_0 {strides = array<i32>} : memref<16x512xf32, #tpu.memory_space<vmem>>, vector<16xf32>,
        %scan3A_91 = arith.constant 0 : i32
        %scan3A_92 = arith.constant 3 : i32
        %scan3A_93 = arith.addi %scan3A_69, %scan3A_92 : i32
        %mul3A_94 = arith.constant 16 : i32
        %mul3A_95 = arith.muli %scan3A_93, %mul3A_94 : i32
        %swap3A_96 = arith.index_cast %scan3A_60 : i32 to index
        %swap3A_97 = arith.index_cast %mul3A_95 : i32 to index
        %swap3A_98 = tpu.vector_load %arg8[%swap3A_96, %swap3A_97] {strides = array<i32>} : memref<16x512xf32, #tpu.memory_space<vmem>>, vector<16xf32>,
        tpu.vector_store %arg8[%swap3A_96, %swap3A_97], %broadcast_in_dim3A_0 {strides = array<i32>} : memref<16x512xf32, #tpu.memory_space<vmem>>, vector<16xf32>,
        %scan3A_99 = arith.constant 0 : i32
        %scan3A_100 = arith.constant 4 : i32
        %scan3A_101 = arith.addi %scan3A_69, %scan3A_100 : i32
        %mul3A_102 = arith.constant 16 : i32
        %mul3A_103 = arith.muli %scan3A_101, %mul3A_102 : i32
        %swap3A_104 = arith.index_cast %scan3A_60 : i32 to index
        %swap3A_105 = arith.index_cast %mul3A_103 : i32 to index
        %swap3A_106 = tpu.vector_load %arg8[%swap3A_104, %swap3A_105] {strides = array<i32>} : memref<16x512xf32, #tpu.memory_space<vmem>>, vector<16xf32>,
        tpu.vector_store %arg8[%swap3A_104, %swap3A_105], %broadcast_in_dim3A_0 {strides = array<i32>} : memref<16x512xf32, #tpu.memory_space<vmem>>, vector<16xf32>,
        %scan3A_107 = arith.constant 0 : i32
        %scan3A_108 = arith.constant 5 : i32
        %scan3A_109 = arith.addi %scan3A_69, %scan3A_108 : i32
        %mul3A_110 = arith.constant 16 : i32
        %mul3A_111 = arith.muli %scan3A_109, %mul3A_110 : i32
        %swap3A_112 = arith.index_cast %scan3A_60 : i32 to index
        %swap3A_113 = arith.index_cast %mul3A_111 : i32 to index
        %swap3A_114 = tpu.vector_load %arg8[%swap3A_112, %swap3A_113] {strides = array<i32>} : memref<16x512xf32, #tpu.memory_space<vmem>>, vector<16xf32>,
        tpu.vector_store %arg8[%swap3A_112, %swap3A_113], %broadcast_in_dim3A_0 {strides = array<i32>} : memref<16x512xf32, #tpu.memory_space<vmem>>, vector<16xf32>,
        %scan3A_115 = arith.constant 0 : i32
        %scan3A_116 = arith.constant 6 : i32
        %scan3A_117 = arith.addi %scan3A_69, %scan3A_116 : i32
        %mul3A_118 = arith.constant 16 : i32
        %mul3A_119 = arith.muli %scan3A_117, %mul3A_118 : i32
        %swap3A_120 = arith.index_cast %scan3A_60 : i32 to index
        %swap3A_121 = arith.index_cast %mul3A_119 : i32 to index
        %swap3A_122 = tpu.vector_load %arg8[%swap3A_120, %swap3A_121] {strides = array<i32>} : memref<16x512xf32, #tpu.memory_space<vmem>>, vector<16xf32>,
        tpu.vector_store %arg8[%swap3A_120, %swap3A_121], %broadcast_in_dim3A_0 {strides = array<i32>} : memref<16x512xf32, #tpu.memory_space<vmem>>, vector<16xf32>,
        %scan3A_123 = arith.constant 0 : i32
        %scan3A_124 = arith.constant 7 : i32
        %scan3A_125 = arith.addi %scan3A_69, %scan3A_124 : i32
        %mul3A_126 = arith.constant 16 : i32
        %mul3A_127 = arith.muli %scan3A_125, %mul3A_126 : i32
        %swap3A_128 = arith.index_cast %scan3A_60 : i32 to index
        %swap3A_129 = arith.index_cast %mul3A_127 : i32 to index
        %swap3A_130 = tpu.vector_load %arg8[%swap3A_128, %swap3A_129] {strides = array<i32>} : memref<16x512xf32, #tpu.memory_space<vmem>>, vector<16xf32>,
        tpu.vector_store %arg8[%swap3A_128, %swap3A_129], %broadcast_in_dim3A_0 {strides = array<i32>} : memref<16x512xf32, #tpu.memory_space<vmem>>, vector<16xf32>,
        %scan3A_131 = arith.constant 0 : i32
        scf.yield %scan3A_131 : i32
      }
      %scan3A_68 = arith.constant 32 : i32
      scf.yield %scan3A_67 : i32
    }
    %scan3A_16 = arith.constant 16 : i32
    %dma_wait3A = arith.constant 0 : i32
    %dma_wait3A_17 = tpu.memref_slice %arg3[%mul3A_1, %dma_wait3A] : memref<128x512xf32, #tpu.memory_space<hbm>> -> memref<8x512xf32, #tpu.memory_space<hbm>>
    %dma_wait3A_18 = arith.constant 0 : i32
    %dma_wait3A_19 = tpu.memref_slice %arg3[%mul3A_1, %dma_wait3A_18] : memref<128x512xf32, #tpu.memory_space<hbm>> -> memref<8x512xf32, #tpu.memory_space<hbm>>
    tpu.wait_dma2 semaphore(%arg13 : memref<!tpu.dma_semaphore, #tpu.memory_space<semaphore_mem>>) src(%dma_wait3A_19 : memref<8x512xf32, #tpu.memory_space<hbm>>) dst(%arg5 : memref<8x512xf32, #tpu.memory_space<vmem>>)
    %dma_wait3A_20 = arith.constant 0 : i32
    %dma_wait3A_21 = tpu.memref_slice %arg6[%dma_wait3A_20] : memref<16xi32, #tpu.memory_space<vmem>> -> memref<8xi32, #tpu.memory_space<vmem>>
    %dma_wait3A_22 = tpu.memref_slice %arg2[%mul3A_1] : memref<128xi32, #tpu.memory_space<hbm>> -> memref<8xi32, #tpu.memory_space<hbm>>
    %dma_wait3A_23 = arith.constant 0 : i32
    %dma_wait3A_24 = tpu.memref_slice %arg6[%dma_wait3A_23] : memref<16xi32, #tpu.memory_space<vmem>> -> memref<8xi32, #tpu.memory_space<vmem>>
    %dma_wait3A_25 = tpu.memref_slice %arg2[%mul3A_1] : memref<128xi32, #tpu.memory_space<hbm>> -> memref<8xi32, #tpu.memory_space<hbm>>
    tpu.wait_dma2 semaphore(%arg14 : memref<!tpu.dma_semaphore, #tpu.memory_space<semaphore_mem>>) src(%dma_wait3A_25 : memref<8xi32, #tpu.memory_space<hbm>>) dst(%dma_wait3A_24 : memref<8xi32, #tpu.memory_space<vmem>>)
    %iota3A = tpu.iota {dimensions = array<i32: 0>} : vector<16xi32>
    %get3A = arith.constant 0 : index
    %get3A_26 = tpu.vector_load %arg6[%get3A] {strides = array<i32>} : memref<16xi32, #tpu.memory_space<vmem>>, vector<16xi32>,
    %scan3A_27 = arith.constant 0 : i32
    %scan3A_28 = arith.constant 0 : i32
    %scan3A_29 = arith.constant 8 : i32
    %scan3A_30 = arith.addi %scan3A_28, %scan3A_29 : i32
    %scan3A_31 = arith.constant 1 : i32
    %scan3A_32 = scf.for %scan3A_60 = %scan3A_28 to %scan3A_30 step %scan3A_31 iter_args(%scan3A_61 = %scan3A_27) -> (i32)  : i32 {
      %scan3A_62 = arith.constant 0 : i32
      %scan3A_63 = arith.constant 32 : i32
      %scan3A_64 = arith.addi %scan3A_62, %scan3A_63 : i32
      %scan3A_65 = arith.constant 8 : i32
      %scan3A_66 = scf.for %scan3A_125 = %scan3A_62 to %scan3A_64 step %scan3A_65 iter_args(%scan3A_126 = %broadcast_in_dim3A_0) -> (vector<16xf32>)  : i32 {
        %mul3A_127 = arith.constant 16 : i32
        %mul3A_128 = arith.muli %scan3A_125, %mul3A_127 : i32
        %get3A_129 = arith.index_cast %scan3A_60 : i32 to index
        %get3A_130 = arith.index_cast %mul3A_128 : i32 to index
        %get3A_131 = tpu.vector_load %arg5[%get3A_129, %get3A_130] {strides = array<i32>} : memref<8x512xf32, #tpu.memory_space<vmem>>, vector<16xf32>,
        %mul3A_132 = arith.mulf %get3A_131, %get3A_131 : vector<16xf32>
        %add3A = arith.addf %scan3A_126, %mul3A_132 : vector<16xf32>
        %scan3A_133 = arith.constant 1 : i32
        %scan3A_134 = arith.addi %scan3A_125, %scan3A_133 : i32
        %mul3A_135 = arith.constant 16 : i32
        %mul3A_136 = arith.muli %scan3A_134, %mul3A_135 : i32
        %get3A_137 = arith.index_cast %scan3A_60 : i32 to index
        %get3A_138 = arith.index_cast %mul3A_136 : i32 to index
        %get3A_139 = tpu.vector_load %arg5[%get3A_137, %get3A_138] {strides = array<i32>} : memref<8x512xf32, #tpu.memory_space<vmem>>, vector<16xf32>,
        %mul3A_140 = arith.mulf %get3A_139, %get3A_139 : vector<16xf32>
        %add3A_141 = arith.addf %add3A, %mul3A_140 : vector<16xf32>
        %scan3A_142 = arith.constant 2 : i32
        %scan3A_143 = arith.addi %scan3A_125, %scan3A_142 : i32
        %mul3A_144 = arith.constant 16 : i32
        %mul3A_145 = arith.muli %scan3A_143, %mul3A_144 : i32
        %get3A_146 = arith.index_cast %scan3A_60 : i32 to index
        %get3A_147 = arith.index_cast %mul3A_145 : i32 to index
        %get3A_148 = tpu.vector_load %arg5[%get3A_146, %get3A_147] {strides = array<i32>} : memref<8x512xf32, #tpu.memory_space<vmem>>, vector<16xf32>,
        %mul3A_149 = arith.mulf %get3A_148, %get3A_148 : vector<16xf32>
        %add3A_150 = arith.addf %add3A_141, %mul3A_149 : vector<16xf32>
        %scan3A_151 = arith.constant 3 : i32
        %scan3A_152 = arith.addi %scan3A_125, %scan3A_151 : i32
        %mul3A_153 = arith.constant 16 : i32
        %mul3A_154 = arith.muli %scan3A_152, %mul3A_153 : i32
        %get3A_155 = arith.index_cast %scan3A_60 : i32 to index
        %get3A_156 = arith.index_cast %mul3A_154 : i32 to index
        %get3A_157 = tpu.vector_load %arg5[%get3A_155, %get3A_156] {strides = array<i32>} : memref<8x512xf32, #tpu.memory_space<vmem>>, vector<16xf32>,
        %mul3A_158 = arith.mulf %get3A_157, %get3A_157 : vector<16xf32>
        %add3A_159 = arith.addf %add3A_150, %mul3A_158 : vector<16xf32>
        %scan3A_160 = arith.constant 4 : i32
        %scan3A_161 = arith.addi %scan3A_125, %scan3A_160 : i32
        %mul3A_162 = arith.constant 16 : i32
        %mul3A_163 = arith.muli %scan3A_161, %mul3A_162 : i32
        %get3A_164 = arith.index_cast %scan3A_60 : i32 to index
        %get3A_165 = arith.index_cast %mul3A_163 : i32 to index
        %get3A_166 = tpu.vector_load %arg5[%get3A_164, %get3A_165] {strides = array<i32>} : memref<8x512xf32, #tpu.memory_space<vmem>>, vector<16xf32>,
        %mul3A_167 = arith.mulf %get3A_166, %get3A_166 : vector<16xf32>
        %add3A_168 = arith.addf %add3A_159, %mul3A_167 : vector<16xf32>
        %scan3A_169 = arith.constant 5 : i32
        %scan3A_170 = arith.addi %scan3A_125, %scan3A_169 : i32
        %mul3A_171 = arith.constant 16 : i32
        %mul3A_172 = arith.muli %scan3A_170, %mul3A_171 : i32
        %get3A_173 = arith.index_cast %scan3A_60 : i32 to index
        %get3A_174 = arith.index_cast %mul3A_172 : i32 to index
        %get3A_175 = tpu.vector_load %arg5[%get3A_173, %get3A_174] {strides = array<i32>} : memref<8x512xf32, #tpu.memory_space<vmem>>, vector<16xf32>,
        %mul3A_176 = arith.mulf %get3A_175, %get3A_175 : vector<16xf32>
        %add3A_177 = arith.addf %add3A_168, %mul3A_176 : vector<16xf32>
        %scan3A_178 = arith.constant 6 : i32
        %scan3A_179 = arith.addi %scan3A_125, %scan3A_178 : i32
        %mul3A_180 = arith.constant 16 : i32
        %mul3A_181 = arith.muli %scan3A_179, %mul3A_180 : i32
        %get3A_182 = arith.index_cast %scan3A_60 : i32 to index
        %get3A_183 = arith.index_cast %mul3A_181 : i32 to index
        %get3A_184 = tpu.vector_load %arg5[%get3A_182, %get3A_183] {strides = array<i32>} : memref<8x512xf32, #tpu.memory_space<vmem>>, vector<16xf32>,
        %mul3A_185 = arith.mulf %get3A_184, %get3A_184 : vector<16xf32>
        %add3A_186 = arith.addf %add3A_177, %mul3A_185 : vector<16xf32>
        %scan3A_187 = arith.constant 7 : i32
        %scan3A_188 = arith.addi %scan3A_125, %scan3A_187 : i32
        %mul3A_189 = arith.constant 16 : i32
        %mul3A_190 = arith.muli %scan3A_188, %mul3A_189 : i32
        %get3A_191 = arith.index_cast %scan3A_60 : i32 to index
        %get3A_192 = arith.index_cast %mul3A_190 : i32 to index
        %get3A_193 = tpu.vector_load %arg5[%get3A_191, %get3A_192] {strides = array<i32>} : memref<8x512xf32, #tpu.memory_space<vmem>>, vector<16xf32>,
        %mul3A_194 = arith.mulf %get3A_193, %get3A_193 : vector<16xf32>
        %add3A_195 = arith.addf %add3A_186, %mul3A_194 : vector<16xf32>
        scf.yield %add3A_195 : vector<16xf32>
      }
      %scan3A_67 = arith.constant 32 : i32
      %reduce_sum3A = arith.constant true
      %reduce_sum3A_68 = vector.broadcast %reduce_sum3A : i1 to vector<16xi1>
      %reduce_sum3A_69 = tpu.scan <sum>, %scan3A_66 masked %reduce_sum3A_68 : vector<16xf32>, vector<16xi1> -> vector<16xf32>
      %reduce_sum3A_70 = vector.extract %reduce_sum3A_69[15] : f32 from vector<16xf32>
      %broadcast_in_dim3A_71 = vector.broadcast %reduce_sum3A_70 : f32 to vector<16xf32>
      %bitcast3A = vector.bitcast %broadcast_in_dim3A_71 : vector<16xf32> to vector<16xi32>
      %broadcast_in_dim3A_72 = arith.constant 1597463007 : i32
      %broadcast_in_dim3A_73 = vector.broadcast %broadcast_in_dim3A_72 : i32 to vector<16xi32>
      %broadcast_in_dim3A_74 = arith.constant 1 : i32
      %broadcast_in_dim3A_75 = vector.broadcast %broadcast_in_dim3A_74 : i32 to vector<16xi32>
      %shift_right_arithmetic3A = arith.shrsi %bitcast3A, %broadcast_in_dim3A_75 : vector<16xi32>
      %sub3A = arith.subi %broadcast_in_dim3A_73, %shift_right_arithmetic3A : vector<16xi32>
      %bitcast3A_76 = vector.bitcast %sub3A : vector<16xi32> to vector<16xf32>
      %mul3A_77 = arith.constant 5.000000e-01 : f32
      %mul3A_78 = vector.broadcast %mul3A_77 : f32 to vector<16xf32>
      %mul3A_79 = arith.mulf %mul3A_78, %broadcast_in_dim3A_71 : vector<16xf32>
      %mul3A_80 = arith.mulf %mul3A_79, %bitcast3A_76 : vector<16xf32>
      %mul3A_81 = arith.mulf %mul3A_80, %bitcast3A_76 : vector<16xf32>
      %sub3A_82 = arith.constant 1.500000e+00 : f32
      %sub3A_83 = vector.broadcast %sub3A_82 : f32 to vector<16xf32>
      %sub3A_84 = arith.subf %sub3A_83, %mul3A_81 : vector<16xf32>
      %mul3A_85 = arith.mulf %bitcast3A_76, %sub3A_84 : vector<16xf32>
      %mul3A_86 = arith.constant 5.000000e-01 : f32
      %mul3A_87 = vector.broadcast %mul3A_86 : f32 to vector<16xf32>
      %mul3A_88 = arith.mulf %mul3A_87, %broadcast_in_dim3A_71 : vector<16xf32>
      %mul3A_89 = arith.mulf %mul3A_88, %mul3A_85 : vector<16xf32>
      %mul3A_90 = arith.mulf %mul3A_89, %mul3A_85 : vector<16xf32>
      %sub3A_91 = arith.constant 1.500000e+00 : f32
      %sub3A_92 = vector.broadcast %sub3A_91 : f32 to vector<16xf32>
      %sub3A_93 = arith.subf %sub3A_92, %mul3A_90 : vector<16xf32>
      %mul3A_94 = arith.mulf %mul3A_85, %sub3A_93 : vector<16xf32>
      %mul3A_95 = arith.constant 5.000000e-01 : f32
      %mul3A_96 = vector.broadcast %mul3A_95 : f32 to vector<16xf32>
      %mul3A_97 = arith.mulf %mul3A_96, %broadcast_in_dim3A_71 : vector<16xf32>
      %mul3A_98 = arith.mulf %mul3A_97, %mul3A_94 : vector<16xf32>
      %mul3A_99 = arith.mulf %mul3A_98, %mul3A_94 : vector<16xf32>
      %sub3A_100 = arith.constant 1.500000e+00 : f32
      %sub3A_101 = vector.broadcast %sub3A_100 : f32 to vector<16xf32>
      %sub3A_102 = arith.subf %sub3A_101, %mul3A_99 : vector<16xf32>
      %mul3A_103 = arith.mulf %mul3A_94, %sub3A_102 : vector<16xf32>
      %eq3A_104 = arith.constant 0.000000e+00 : f32
      %eq3A_105 = vector.broadcast %eq3A_104 : f32 to vector<16xf32>
      %eq3A_106 = arith.cmpf oeq, %broadcast_in_dim3A_71, %eq3A_105 : vector<16xf32>
      %jit3A = arith.constant 0.000000e+00 : f32
      %broadcast_in_dim3A_107 = vector.broadcast %jit3A : f32 to vector<16xf32>
      %select_n3A = arith.select %eq3A_106, %broadcast_in_dim3A_107, %mul3A_103 : vector<16xi1>, vector<16xf32>
      %eq3A_108 = vector.broadcast %scan3A_60 : i32 to vector<16xi32>
      %eq3A_109 = arith.cmpi eq, %iota3A, %eq3A_108 : vector<16xi32>
      %jit3A_110 = arith.constant 0 : i32
      %broadcast_in_dim3A_111 = vector.broadcast %jit3A_110 : i32 to vector<16xi32>
      %select_n3A_112 = arith.select %eq3A_109, %get3A_26, %broadcast_in_dim3A_111 : vector<16xi1>, vector<16xi32>
      %reduce_sum3A_113 = arith.constant true
      %reduce_sum3A_114 = vector.broadcast %reduce_sum3A_113 : i1 to vector<16xi1>
      %reduce_sum3A_115 = tpu.scan <sum>, %select_n3A_112 masked %reduce_sum3A_114 : vector<16xi32>, vector<16xi1> -> vector<16xi32>
      %reduce_sum3A_116 = vector.extract %reduce_sum3A_115[15] : i32 from vector<16xi32>
      %broadcast_in_dim3A_117 = vector.broadcast %reduce_sum3A_116 : i32 to vector<16xi32>
      %scan3A_118 = arith.constant 0 : i32
      %scan3A_119 = arith.constant 0 : i32
      %scan3A_120 = arith.constant 32 : i32
      %scan3A_121 = arith.addi %scan3A_119, %scan3A_120 : i32
      %scan3A_122 = arith.constant 8 : i32
      %scan3A_123 = scf.for %scan3A_125 = %scan3A_119 to %scan3A_121 step %scan3A_122 iter_args(%scan3A_126 = %scan3A_118) -> (i32)  : i32 {
        %mul3A_127 = arith.constant 16 : i32
        %mul3A_128 = arith.muli %scan3A_125, %mul3A_127 : i32
        %get3A_129 = arith.index_cast %scan3A_60 : i32 to index
        %get3A_130 = arith.index_cast %mul3A_128 : i32 to index
        %get3A_131 = tpu.vector_load %arg5[%get3A_129, %get3A_130] {strides = array<i32>} : memref<8x512xf32, #tpu.memory_space<vmem>>, vector<16xf32>,
        %mul3A_132 = arith.mulf %get3A_131, %select_n3A : vector<16xf32>
        %mul3A_133 = arith.constant 16 : i32
        %mul3A_134 = arith.muli %scan3A_125, %mul3A_133 : i32
        %add3A = vector.broadcast %mul3A_134 : i32 to vector<16xi32>
        %add3A_135 = arith.addi %add3A, %iota3A : vector<16xi32>
        tpu.vector_store_idx %arg8[%broadcast_in_dim3A_117, %add3A_135], %mul3A_132 {add = true} : memref<16x512xf32, #tpu.memory_space<vmem>>[vector<16xi32>, vector<16xi32>], vector<16xf32>,
        %scan3A_136 = arith.constant 0 : i32
        %scan3A_137 = arith.constant 1 : i32
        %scan3A_138 = arith.addi %scan3A_125, %scan3A_137 : i32
        %mul3A_139 = arith.constant 16 : i32
        %mul3A_140 = arith.muli %scan3A_138, %mul3A_139 : i32
        %get3A_141 = arith.index_cast %scan3A_60 : i32 to index
        %get3A_142 = arith.index_cast %mul3A_140 : i32 to index
        %get3A_143 = tpu.vector_load %arg5[%get3A_141, %get3A_142] {strides = array<i32>} : memref<8x512xf32, #tpu.memory_space<vmem>>, vector<16xf32>,
        %mul3A_144 = arith.mulf %get3A_143, %select_n3A : vector<16xf32>
        %mul3A_145 = arith.constant 16 : i32
        %mul3A_146 = arith.muli %scan3A_138, %mul3A_145 : i32
        %add3A_147 = vector.broadcast %mul3A_146 : i32 to vector<16xi32>
        %add3A_148 = arith.addi %add3A_147, %iota3A : vector<16xi32>
        tpu.vector_store_idx %arg8[%broadcast_in_dim3A_117, %add3A_148], %mul3A_144 {add = true} : memref<16x512xf32, #tpu.memory_space<vmem>>[vector<16xi32>, vector<16xi32>], vector<16xf32>,
        %scan3A_149 = arith.constant 0 : i32
        %scan3A_150 = arith.constant 2 : i32
        %scan3A_151 = arith.addi %scan3A_125, %scan3A_150 : i32
        %mul3A_152 = arith.constant 16 : i32
        %mul3A_153 = arith.muli %scan3A_151, %mul3A_152 : i32
        %get3A_154 = arith.index_cast %scan3A_60 : i32 to index
        %get3A_155 = arith.index_cast %mul3A_153 : i32 to index
        %get3A_156 = tpu.vector_load %arg5[%get3A_154, %get3A_155] {strides = array<i32>} : memref<8x512xf32, #tpu.memory_space<vmem>>, vector<16xf32>,
        %mul3A_157 = arith.mulf %get3A_156, %select_n3A : vector<16xf32>
        %mul3A_158 = arith.constant 16 : i32
        %mul3A_159 = arith.muli %scan3A_151, %mul3A_158 : i32
        %add3A_160 = vector.broadcast %mul3A_159 : i32 to vector<16xi32>
        %add3A_161 = arith.addi %add3A_160, %iota3A : vector<16xi32>
        tpu.vector_store_idx %arg8[%broadcast_in_dim3A_117, %add3A_161], %mul3A_157 {add = true} : memref<16x512xf32, #tpu.memory_space<vmem>>[vector<16xi32>, vector<16xi32>], vector<16xf32>,
        %scan3A_162 = arith.constant 0 : i32
        %scan3A_163 = arith.constant 3 : i32
        %scan3A_164 = arith.addi %scan3A_125, %scan3A_163 : i32
        %mul3A_165 = arith.constant 16 : i32
        %mul3A_166 = arith.muli %scan3A_164, %mul3A_165 : i32
        %get3A_167 = arith.index_cast %scan3A_60 : i32 to index
        %get3A_168 = arith.index_cast %mul3A_166 : i32 to index
        %get3A_169 = tpu.vector_load %arg5[%get3A_167, %get3A_168] {strides = array<i32>} : memref<8x512xf32, #tpu.memory_space<vmem>>, vector<16xf32>,
        %mul3A_170 = arith.mulf %get3A_169, %select_n3A : vector<16xf32>
        %mul3A_171 = arith.constant 16 : i32
        %mul3A_172 = arith.muli %scan3A_164, %mul3A_171 : i32
        %add3A_173 = vector.broadcast %mul3A_172 : i32 to vector<16xi32>
        %add3A_174 = arith.addi %add3A_173, %iota3A : vector<16xi32>
        tpu.vector_store_idx %arg8[%broadcast_in_dim3A_117, %add3A_174], %mul3A_170 {add = true} : memref<16x512xf32, #tpu.memory_space<vmem>>[vector<16xi32>, vector<16xi32>], vector<16xf32>,
        %scan3A_175 = arith.constant 0 : i32
        %scan3A_176 = arith.constant 4 : i32
        %scan3A_177 = arith.addi %scan3A_125, %scan3A_176 : i32
        %mul3A_178 = arith.constant 16 : i32
        %mul3A_179 = arith.muli %scan3A_177, %mul3A_178 : i32
        %get3A_180 = arith.index_cast %scan3A_60 : i32 to index
        %get3A_181 = arith.index_cast %mul3A_179 : i32 to index
        %get3A_182 = tpu.vector_load %arg5[%get3A_180, %get3A_181] {strides = array<i32>} : memref<8x512xf32, #tpu.memory_space<vmem>>, vector<16xf32>,
        %mul3A_183 = arith.mulf %get3A_182, %select_n3A : vector<16xf32>
        %mul3A_184 = arith.constant 16 : i32
        %mul3A_185 = arith.muli %scan3A_177, %mul3A_184 : i32
        %add3A_186 = vector.broadcast %mul3A_185 : i32 to vector<16xi32>
        %add3A_187 = arith.addi %add3A_186, %iota3A : vector<16xi32>
        tpu.vector_store_idx %arg8[%broadcast_in_dim3A_117, %add3A_187], %mul3A_183 {add = true} : memref<16x512xf32, #tpu.memory_space<vmem>>[vector<16xi32>, vector<16xi32>], vector<16xf32>,
        %scan3A_188 = arith.constant 0 : i32
        %scan3A_189 = arith.constant 5 : i32
        %scan3A_190 = arith.addi %scan3A_125, %scan3A_189 : i32
        %mul3A_191 = arith.constant 16 : i32
        %mul3A_192 = arith.muli %scan3A_190, %mul3A_191 : i32
        %get3A_193 = arith.index_cast %scan3A_60 : i32 to index
        %get3A_194 = arith.index_cast %mul3A_192 : i32 to index
        %get3A_195 = tpu.vector_load %arg5[%get3A_193, %get3A_194] {strides = array<i32>} : memref<8x512xf32, #tpu.memory_space<vmem>>, vector<16xf32>,
        %mul3A_196 = arith.mulf %get3A_195, %select_n3A : vector<16xf32>
        %mul3A_197 = arith.constant 16 : i32
        %mul3A_198 = arith.muli %scan3A_190, %mul3A_197 : i32
        %add3A_199 = vector.broadcast %mul3A_198 : i32 to vector<16xi32>
        %add3A_200 = arith.addi %add3A_199, %iota3A : vector<16xi32>
        tpu.vector_store_idx %arg8[%broadcast_in_dim3A_117, %add3A_200], %mul3A_196 {add = true} : memref<16x512xf32, #tpu.memory_space<vmem>>[vector<16xi32>, vector<16xi32>], vector<16xf32>,
        %scan3A_201 = arith.constant 0 : i32
        %scan3A_202 = arith.constant 6 : i32
        %scan3A_203 = arith.addi %scan3A_125, %scan3A_202 : i32
        %mul3A_204 = arith.constant 16 : i32
        %mul3A_205 = arith.muli %scan3A_203, %mul3A_204 : i32
        %get3A_206 = arith.index_cast %scan3A_60 : i32 to index
        %get3A_207 = arith.index_cast %mul3A_205 : i32 to index
        %get3A_208 = tpu.vector_load %arg5[%get3A_206, %get3A_207] {strides = array<i32>} : memref<8x512xf32, #tpu.memory_space<vmem>>, vector<16xf32>,
        %mul3A_209 = arith.mulf %get3A_208, %select_n3A : vector<16xf32>
        %mul3A_210 = arith.constant 16 : i32
        %mul3A_211 = arith.muli %scan3A_203, %mul3A_210 : i32
        %add3A_212 = vector.broadcast %mul3A_211 : i32 to vector<16xi32>
        %add3A_213 = arith.addi %add3A_212, %iota3A : vector<16xi32>
        tpu.vector_store_idx %arg8[%broadcast_in_dim3A_117, %add3A_213], %mul3A_209 {add = true} : memref<16x512xf32, #tpu.memory_space<vmem>>[vector<16xi32>, vector<16xi32>], vector<16xf32>,
        %scan3A_214 = arith.constant 0 : i32
        %scan3A_215 = arith.constant 7 : i32
        %scan3A_216 = arith.addi %scan3A_125, %scan3A_215 : i32
        %mul3A_217 = arith.constant 16 : i32
        %mul3A_218 = arith.muli %scan3A_216, %mul3A_217 : i32
        %get3A_219 = arith.index_cast %scan3A_60 : i32 to index
        %get3A_220 = arith.index_cast %mul3A_218 : i32 to index
        %get3A_221 = tpu.vector_load %arg5[%get3A_219, %get3A_220] {strides = array<i32>} : memref<8x512xf32, #tpu.memory_space<vmem>>, vector<16xf32>,
        %mul3A_222 = arith.mulf %get3A_221, %select_n3A : vector<16xf32>
        %mul3A_223 = arith.constant 16 : i32
        %mul3A_224 = arith.muli %scan3A_216, %mul3A_223 : i32
        %add3A_225 = vector.broadcast %mul3A_224 : i32 to vector<16xi32>
        %add3A_226 = arith.addi %add3A_225, %iota3A : vector<16xi32>
        tpu.vector_store_idx %arg8[%broadcast_in_dim3A_117, %add3A_226], %mul3A_222 {add = true} : memref<16x512xf32, #tpu.memory_space<vmem>>[vector<16xi32>, vector<16xi32>], vector<16xf32>,
        %scan3A_227 = arith.constant 0 : i32
        scf.yield %scan3A_227 : i32
      }
      %scan3A_124 = arith.constant 32 : i32
      scf.yield %scan3A_123 : i32
    }
    %scan3A_33 = arith.constant 8 : i32
    %dma_start3A_34 = arith.constant 0 : i32
    %dma_start3A_35 = arith.constant 0 : i32
    %dma_start3A_36 = tpu.memref_slice %arg17[%arg1, %dma_start3A_34, %dma_start3A_35] : memref<16x16x512xf32, #tpu.memory_space<vmem_shared>> -> memref<1x16x512xf32, #tpu.memory_space<vmem_shared>>
    %dma_start3A_37 = tpu.memref_squeeze %dma_start3A_36 : memref<1x16x512xf32, #tpu.memory_space<vmem_shared>> -> memref<16x512xf32, #tpu.memory_space<vmem_shared>>
    %dma_start3A_38 = arith.constant 0 : i32
    %dma_start3A_39 = arith.constant 0 : i32
    %dma_start3A_40 = tpu.memref_slice %arg17[%arg1, %dma_start3A_38, %dma_start3A_39] : memref<16x16x512xf32, #tpu.memory_space<vmem_shared>> -> memref<1x16x512xf32, #tpu.memory_space<vmem_shared>>
    %dma_start3A_41 = tpu.memref_squeeze %dma_start3A_40 : memref<1x16x512xf32, #tpu.memory_space<vmem_shared>> -> memref<16x512xf32, #tpu.memory_space<vmem_shared>>
    tpu.enqueue_dma source(%arg8 : memref<16x512xf32, #tpu.memory_space<vmem>>) target(%dma_start3A_41 : memref<16x512xf32, #tpu.memory_space<vmem_shared>>) target_semaphore(%arg16 : memref<!tpu.dma_semaphore, #tpu.memory_space<semaphore_mem>>)
    %dma_wait3A_42 = arith.constant 0 : i32
    %dma_wait3A_43 = arith.constant 0 : i32
    %dma_wait3A_44 = tpu.memref_slice %arg17[%arg1, %dma_wait3A_42, %dma_wait3A_43] : memref<16x16x512xf32, #tpu.memory_space<vmem_shared>> -> memref<1x16x512xf32, #tpu.memory_space<vmem_shared>>
    %dma_wait3A_45 = tpu.memref_squeeze %dma_wait3A_44 : memref<1x16x512xf32, #tpu.memory_space<vmem_shared>> -> memref<16x512xf32, #tpu.memory_space<vmem_shared>>
    %dma_wait3A_46 = arith.constant 0 : i32
    %dma_wait3A_47 = arith.constant 0 : i32
    %dma_wait3A_48 = tpu.memref_slice %arg17[%arg1, %dma_wait3A_46, %dma_wait3A_47] : memref<16x16x512xf32, #tpu.memory_space<vmem_shared>> -> memref<1x16x512xf32, #tpu.memory_space<vmem_shared>>
    %dma_wait3A_49 = tpu.memref_squeeze %dma_wait3A_48 : memref<1x16x512xf32, #tpu.memory_space<vmem_shared>> -> memref<16x512xf32, #tpu.memory_space<vmem_shared>>
    tpu.wait_dma2 semaphore(%arg16 : memref<!tpu.dma_semaphore, #tpu.memory_space<semaphore_mem>>) src(%arg8 : memref<16x512xf32, #tpu.memory_space<vmem>>) dst(%dma_wait3A_49 : memref<16x512xf32, #tpu.memory_space<vmem_shared>>)
    %barrier3A = arith.constant 0 : index
    tpu.barrier barrier_id(%barrier3A)
    "tpu.region"() ({
      %run_scoped3A = tpu.sem_alloc : memref<!tpu.dma_semaphore, #tpu.memory_space<semaphore_mem>>
      %dma_start3A_60 = arith.constant 0 : i32
      %dma_start3A_61 = arith.constant 0 : i32
      %dma_start3A_62 = tpu.memref_slice %arg17[%dma_start3A_60, %arg1, %dma_start3A_61] : memref<16x16x512xf32, #tpu.memory_space<vmem_shared>> -> memref<16x1x512xf32, #tpu.memory_space<vmem_shared>>
      %dma_start3A_63 = tpu.memref_squeeze %dma_start3A_62 : memref<16x1x512xf32, #tpu.memory_space<vmem_shared>> -> memref<16x512xf32, #tpu.memory_space<vmem_shared>>
      %dma_start3A_64 = arith.constant 0 : i32
      %dma_start3A_65 = arith.constant 0 : i32
      %dma_start3A_66 = tpu.memref_slice %arg17[%dma_start3A_64, %arg1, %dma_start3A_65] : memref<16x16x512xf32, #tpu.memory_space<vmem_shared>> -> memref<16x1x512xf32, #tpu.memory_space<vmem_shared>>
      %dma_start3A_67 = tpu.memref_squeeze %dma_start3A_66 : memref<16x1x512xf32, #tpu.memory_space<vmem_shared>> -> memref<16x512xf32, #tpu.memory_space<vmem_shared>>
      tpu.enqueue_dma source(%dma_start3A_67 : memref<16x512xf32, #tpu.memory_space<vmem_shared>>) target(%arg9 : memref<16x512xf32, #tpu.memory_space<vmem>>) target_semaphore(%run_scoped3A : memref<!tpu.dma_semaphore, #tpu.memory_space<semaphore_mem>>)
      %dma_wait3A_68 = arith.constant 0 : i32
      %dma_wait3A_69 = arith.constant 0 : i32
      %dma_wait3A_70 = tpu.memref_slice %arg17[%dma_wait3A_68, %arg1, %dma_wait3A_69] : memref<16x16x512xf32, #tpu.memory_space<vmem_shared>> -> memref<16x1x512xf32, #tpu.memory_space<vmem_shared>>
      %dma_wait3A_71 = tpu.memref_squeeze %dma_wait3A_70 : memref<16x1x512xf32, #tpu.memory_space<vmem_shared>> -> memref<16x512xf32, #tpu.memory_space<vmem_shared>>
      %dma_wait3A_72 = arith.constant 0 : i32
      %dma_wait3A_73 = arith.constant 0 : i32
      %dma_wait3A_74 = tpu.memref_slice %arg17[%dma_wait3A_72, %arg1, %dma_wait3A_73] : memref<16x16x512xf32, #tpu.memory_space<vmem_shared>> -> memref<16x1x512xf32, #tpu.memory_space<vmem_shared>>
      %dma_wait3A_75 = tpu.memref_squeeze %dma_wait3A_74 : memref<16x1x512xf32, #tpu.memory_space<vmem_shared>> -> memref<16x512xf32, #tpu.memory_space<vmem_shared>>
      tpu.wait_dma2 semaphore(%run_scoped3A : memref<!tpu.dma_semaphore, #tpu.memory_space<semaphore_mem>>) src(%dma_wait3A_75 : memref<16x512xf32, #tpu.memory_space<vmem_shared>>) dst(%arg9 : memref<16x512xf32, #tpu.memory_space<vmem>>)
      tpu.yield
    }) : () -> ()
    %scan3A_50 = arith.constant 0 : i32
    %scan3A_51 = arith.constant 0 : i32
    %scan3A_52 = arith.constant 32 : i32
    %scan3A_53 = arith.addi %scan3A_51, %scan3A_52 : i32
    %scan3A_54 = arith.constant 2 : i32
    %scan3A_55 = scf.for %scan3A_60 = %scan3A_51 to %scan3A_53 step %scan3A_54 iter_args(%scan3A_61 = %scan3A_50) -> (i32)  : i32 {
      %mul3A_62 = arith.constant 16 : i32
      %mul3A_63 = arith.muli %scan3A_60, %mul3A_62 : i32
      %get3A_64 = arith.constant 0 : i32
      %get3A_65 = arith.index_cast %get3A_64 : i32 to index
      %get3A_66 = arith.index_cast %mul3A_63 : i32 to index
      %get3A_67 = tpu.vector_load %arg9[%get3A_65, %get3A_66] {strides = array<i32>} : memref<16x512xf32, #tpu.memory_space<vmem>>, vector<16xf32>,
      %mul3A_68 = arith.constant 16 : i32
      %mul3A_69 = arith.muli %scan3A_60, %mul3A_68 : i32
      %get3A_70 = arith.constant 1 : i32
      %get3A_71 = arith.index_cast %get3A_70 : i32 to index
      %get3A_72 = arith.index_cast %mul3A_69 : i32 to index
      %get3A_73 = tpu.vector_load %arg9[%get3A_71, %get3A_72] {strides = array<i32>} : memref<16x512xf32, #tpu.memory_space<vmem>>, vector<16xf32>,
      %add3A = arith.addf %get3A_67, %get3A_73 : vector<16xf32>
      %mul3A_74 = arith.constant 16 : i32
      %mul3A_75 = arith.muli %scan3A_60, %mul3A_74 : i32
      %get3A_76 = arith.constant 2 : i32
      %get3A_77 = arith.index_cast %get3A_76 : i32 to index
      %get3A_78 = arith.index_cast %mul3A_75 : i32 to index
      %get3A_79 = tpu.vector_load %arg9[%get3A_77, %get3A_78] {strides = array<i32>} : memref<16x512xf32, #tpu.memory_space<vmem>>, vector<16xf32>,
      %add3A_80 = arith.addf %add3A, %get3A_79 : vector<16xf32>
      %mul3A_81 = arith.constant 16 : i32
      %mul3A_82 = arith.muli %scan3A_60, %mul3A_81 : i32
      %get3A_83 = arith.constant 3 : i32
      %get3A_84 = arith.index_cast %get3A_83 : i32 to index
      %get3A_85 = arith.index_cast %mul3A_82 : i32 to index
      %get3A_86 = tpu.vector_load %arg9[%get3A_84, %get3A_85] {strides = array<i32>} : memref<16x512xf32, #tpu.memory_space<vmem>>, vector<16xf32>,
      %add3A_87 = arith.addf %add3A_80, %get3A_86 : vector<16xf32>
      %mul3A_88 = arith.constant 16 : i32
      %mul3A_89 = arith.muli %scan3A_60, %mul3A_88 : i32
      %get3A_90 = arith.constant 4 : i32
      %get3A_91 = arith.index_cast %get3A_90 : i32 to index
      %get3A_92 = arith.index_cast %mul3A_89 : i32 to index
      %get3A_93 = tpu.vector_load %arg9[%get3A_91, %get3A_92] {strides = array<i32>} : memref<16x512xf32, #tpu.memory_space<vmem>>, vector<16xf32>,
      %add3A_94 = arith.addf %add3A_87, %get3A_93 : vector<16xf32>
      %mul3A_95 = arith.constant 16 : i32
      %mul3A_96 = arith.muli %scan3A_60, %mul3A_95 : i32
      %get3A_97 = arith.constant 5 : i32
      %get3A_98 = arith.index_cast %get3A_97 : i32 to index
      %get3A_99 = arith.index_cast %mul3A_96 : i32 to index
      %get3A_100 = tpu.vector_load %arg9[%get3A_98, %get3A_99] {strides = array<i32>} : memref<16x512xf32, #tpu.memory_space<vmem>>, vector<16xf32>,
      %add3A_101 = arith.addf %add3A_94, %get3A_100 : vector<16xf32>
      %mul3A_102 = arith.constant 16 : i32
      %mul3A_103 = arith.muli %scan3A_60, %mul3A_102 : i32
      %get3A_104 = arith.constant 6 : i32
      %get3A_105 = arith.index_cast %get3A_104 : i32 to index
      %get3A_106 = arith.index_cast %mul3A_103 : i32 to index
      %get3A_107 = tpu.vector_load %arg9[%get3A_105, %get3A_106] {strides = array<i32>} : memref<16x512xf32, #tpu.memory_space<vmem>>, vector<16xf32>,
      %add3A_108 = arith.addf %add3A_101, %get3A_107 : vector<16xf32>
      %mul3A_109 = arith.constant 16 : i32
      %mul3A_110 = arith.muli %scan3A_60, %mul3A_109 : i32
      %get3A_111 = arith.constant 7 : i32
      %get3A_112 = arith.index_cast %get3A_111 : i32 to index
      %get3A_113 = arith.index_cast %mul3A_110 : i32 to index
      %get3A_114 = tpu.vector_load %arg9[%get3A_112, %get3A_113] {strides = array<i32>} : memref<16x512xf32, #tpu.memory_space<vmem>>, vector<16xf32>,
      %add3A_115 = arith.addf %add3A_108, %get3A_114 : vector<16xf32>
      %mul3A_116 = arith.constant 16 : i32
      %mul3A_117 = arith.muli %scan3A_60, %mul3A_116 : i32
      %get3A_118 = arith.constant 8 : i32
      %get3A_119 = arith.index_cast %get3A_118 : i32 to index
      %get3A_120 = arith.index_cast %mul3A_117 : i32 to index
      %get3A_121 = tpu.vector_load %arg9[%get3A_119, %get3A_120] {strides = array<i32>} : memref<16x512xf32, #tpu.memory_space<vmem>>, vector<16xf32>,
      %add3A_122 = arith.addf %add3A_115, %get3A_121 : vector<16xf32>
      %mul3A_123 = arith.constant 16 : i32
      %mul3A_124 = arith.muli %scan3A_60, %mul3A_123 : i32
      %get3A_125 = arith.constant 9 : i32
      %get3A_126 = arith.index_cast %get3A_125 : i32 to index
      %get3A_127 = arith.index_cast %mul3A_124 : i32 to index
      %get3A_128 = tpu.vector_load %arg9[%get3A_126, %get3A_127] {strides = array<i32>} : memref<16x512xf32, #tpu.memory_space<vmem>>, vector<16xf32>,
      %add3A_129 = arith.addf %add3A_122, %get3A_128 : vector<16xf32>
      %mul3A_130 = arith.constant 16 : i32
      %mul3A_131 = arith.muli %scan3A_60, %mul3A_130 : i32
      %get3A_132 = arith.constant 10 : i32
      %get3A_133 = arith.index_cast %get3A_132 : i32 to index
      %get3A_134 = arith.index_cast %mul3A_131 : i32 to index
      %get3A_135 = tpu.vector_load %arg9[%get3A_133, %get3A_134] {strides = array<i32>} : memref<16x512xf32, #tpu.memory_space<vmem>>, vector<16xf32>,
      %add3A_136 = arith.addf %add3A_129, %get3A_135 : vector<16xf32>
      %mul3A_137 = arith.constant 16 : i32
      %mul3A_138 = arith.muli %scan3A_60, %mul3A_137 : i32
      %get3A_139 = arith.constant 11 : i32
      %get3A_140 = arith.index_cast %get3A_139 : i32 to index
      %get3A_141 = arith.index_cast %mul3A_138 : i32 to index
      %get3A_142 = tpu.vector_load %arg9[%get3A_140, %get3A_141] {strides = array<i32>} : memref<16x512xf32, #tpu.memory_space<vmem>>, vector<16xf32>,
      %add3A_143 = arith.addf %add3A_136, %get3A_142 : vector<16xf32>
      %mul3A_144 = arith.constant 16 : i32
      %mul3A_145 = arith.muli %scan3A_60, %mul3A_144 : i32
      %get3A_146 = arith.constant 12 : i32
      %get3A_147 = arith.index_cast %get3A_146 : i32 to index
      %get3A_148 = arith.index_cast %mul3A_145 : i32 to index
      %get3A_149 = tpu.vector_load %arg9[%get3A_147, %get3A_148] {strides = array<i32>} : memref<16x512xf32, #tpu.memory_space<vmem>>, vector<16xf32>,
      %add3A_150 = arith.addf %add3A_143, %get3A_149 : vector<16xf32>
      %mul3A_151 = arith.constant 16 : i32
      %mul3A_152 = arith.muli %scan3A_60, %mul3A_151 : i32
      %get3A_153 = arith.constant 13 : i32
      %get3A_154 = arith.index_cast %get3A_153 : i32 to index
      %get3A_155 = arith.index_cast %mul3A_152 : i32 to index
      %get3A_156 = tpu.vector_load %arg9[%get3A_154, %get3A_155] {strides = array<i32>} : memref<16x512xf32, #tpu.memory_space<vmem>>, vector<16xf32>,
      %add3A_157 = arith.addf %add3A_150, %get3A_156 : vector<16xf32>
      %mul3A_158 = arith.constant 16 : i32
      %mul3A_159 = arith.muli %scan3A_60, %mul3A_158 : i32
      %get3A_160 = arith.constant 14 : i32
      %get3A_161 = arith.index_cast %get3A_160 : i32 to index
      %get3A_162 = arith.index_cast %mul3A_159 : i32 to index
      %get3A_163 = tpu.vector_load %arg9[%get3A_161, %get3A_162] {strides = array<i32>} : memref<16x512xf32, #tpu.memory_space<vmem>>, vector<16xf32>,
      %add3A_164 = arith.addf %add3A_157, %get3A_163 : vector<16xf32>
      %mul3A_165 = arith.constant 16 : i32
      %mul3A_166 = arith.muli %scan3A_60, %mul3A_165 : i32
      %get3A_167 = arith.constant 15 : i32
      %get3A_168 = arith.index_cast %get3A_167 : i32 to index
      %get3A_169 = arith.index_cast %mul3A_166 : i32 to index
      %get3A_170 = tpu.vector_load %arg9[%get3A_168, %get3A_169] {strides = array<i32>} : memref<16x512xf32, #tpu.memory_space<vmem>>, vector<16xf32>,
      %add3A_171 = arith.addf %add3A_164, %get3A_170 : vector<16xf32>
      %mul3A_172 = arith.constant 16 : i32
      %mul3A_173 = arith.muli %scan3A_60, %mul3A_172 : i32
      %swap3A = arith.index_cast %mul3A_173 : i32 to index
      %swap3A_174 = tpu.vector_load %arg10[%swap3A] {strides = array<i32>} : memref<512xf32, #tpu.memory_space<vmem>>, vector<16xf32>,
      tpu.vector_store %arg10[%swap3A], %add3A_171 {strides = array<i32>} : memref<512xf32, #tpu.memory_space<vmem>>, vector<16xf32>,
      %scan3A_175 = arith.constant 0 : i32
      %scan3A_176 = arith.constant 1 : i32
      %scan3A_177 = arith.addi %scan3A_60, %scan3A_176 : i32
      %mul3A_178 = arith.constant 16 : i32
      %mul3A_179 = arith.muli %scan3A_177, %mul3A_178 : i32
      %get3A_180 = arith.constant 0 : i32
      %get3A_181 = arith.index_cast %get3A_180 : i32 to index
      %get3A_182 = arith.index_cast %mul3A_179 : i32 to index
      %get3A_183 = tpu.vector_load %arg9[%get3A_181, %get3A_182] {strides = array<i32>} : memref<16x512xf32, #tpu.memory_space<vmem>>, vector<16xf32>,
      %mul3A_184 = arith.constant 16 : i32
      %mul3A_185 = arith.muli %scan3A_177, %mul3A_184 : i32
      %get3A_186 = arith.constant 1 : i32
      %get3A_187 = arith.index_cast %get3A_186 : i32 to index
      %get3A_188 = arith.index_cast %mul3A_185 : i32 to index
      %get3A_189 = tpu.vector_load %arg9[%get3A_187, %get3A_188] {strides = array<i32>} : memref<16x512xf32, #tpu.memory_space<vmem>>, vector<16xf32>,
      %add3A_190 = arith.addf %get3A_183, %get3A_189 : vector<16xf32>
      %mul3A_191 = arith.constant 16 : i32
      %mul3A_192 = arith.muli %scan3A_177, %mul3A_191 : i32
      %get3A_193 = arith.constant 2 : i32
      %get3A_194 = arith.index_cast %get3A_193 : i32 to index
      %get3A_195 = arith.index_cast %mul3A_192 : i32 to index
      %get3A_196 = tpu.vector_load %arg9[%get3A_194, %get3A_195] {strides = array<i32>} : memref<16x512xf32, #tpu.memory_space<vmem>>, vector<16xf32>,
      %add3A_197 = arith.addf %add3A_190, %get3A_196 : vector<16xf32>
      %mul3A_198 = arith.constant 16 : i32
      %mul3A_199 = arith.muli %scan3A_177, %mul3A_198 : i32
      %get3A_200 = arith.constant 3 : i32
      %get3A_201 = arith.index_cast %get3A_200 : i32 to index
      %get3A_202 = arith.index_cast %mul3A_199 : i32 to index
      %get3A_203 = tpu.vector_load %arg9[%get3A_201, %get3A_202] {strides = array<i32>} : memref<16x512xf32, #tpu.memory_space<vmem>>, vector<16xf32>,
      %add3A_204 = arith.addf %add3A_197, %get3A_203 : vector<16xf32>
      %mul3A_205 = arith.constant 16 : i32
      %mul3A_206 = arith.muli %scan3A_177, %mul3A_205 : i32
      %get3A_207 = arith.constant 4 : i32
      %get3A_208 = arith.index_cast %get3A_207 : i32 to index
      %get3A_209 = arith.index_cast %mul3A_206 : i32 to index
      %get3A_210 = tpu.vector_load %arg9[%get3A_208, %get3A_209] {strides = array<i32>} : memref<16x512xf32, #tpu.memory_space<vmem>>, vector<16xf32>,
      %add3A_211 = arith.addf %add3A_204, %get3A_210 : vector<16xf32>
      %mul3A_212 = arith.constant 16 : i32
      %mul3A_213 = arith.muli %scan3A_177, %mul3A_212 : i32
      %get3A_214 = arith.constant 5 : i32
      %get3A_215 = arith.index_cast %get3A_214 : i32 to index
      %get3A_216 = arith.index_cast %mul3A_213 : i32 to index
      %get3A_217 = tpu.vector_load %arg9[%get3A_215, %get3A_216] {strides = array<i32>} : memref<16x512xf32, #tpu.memory_space<vmem>>, vector<16xf32>,
      %add3A_218 = arith.addf %add3A_211, %get3A_217 : vector<16xf32>
      %mul3A_219 = arith.constant 16 : i32
      %mul3A_220 = arith.muli %scan3A_177, %mul3A_219 : i32
      %get3A_221 = arith.constant 6 : i32
      %get3A_222 = arith.index_cast %get3A_221 : i32 to index
      %get3A_223 = arith.index_cast %mul3A_220 : i32 to index
      %get3A_224 = tpu.vector_load %arg9[%get3A_222, %get3A_223] {strides = array<i32>} : memref<16x512xf32, #tpu.memory_space<vmem>>, vector<16xf32>,
      %add3A_225 = arith.addf %add3A_218, %get3A_224 : vector<16xf32>
      %mul3A_226 = arith.constant 16 : i32
      %mul3A_227 = arith.muli %scan3A_177, %mul3A_226 : i32
      %get3A_228 = arith.constant 7 : i32
      %get3A_229 = arith.index_cast %get3A_228 : i32 to index
      %get3A_230 = arith.index_cast %mul3A_227 : i32 to index
      %get3A_231 = tpu.vector_load %arg9[%get3A_229, %get3A_230] {strides = array<i32>} : memref<16x512xf32, #tpu.memory_space<vmem>>, vector<16xf32>,
      %add3A_232 = arith.addf %add3A_225, %get3A_231 : vector<16xf32>
      %mul3A_233 = arith.constant 16 : i32
      %mul3A_234 = arith.muli %scan3A_177, %mul3A_233 : i32
      %get3A_235 = arith.constant 8 : i32
      %get3A_236 = arith.index_cast %get3A_235 : i32 to index
      %get3A_237 = arith.index_cast %mul3A_234 : i32 to index
      %get3A_238 = tpu.vector_load %arg9[%get3A_236, %get3A_237] {strides = array<i32>} : memref<16x512xf32, #tpu.memory_space<vmem>>, vector<16xf32>,
      %add3A_239 = arith.addf %add3A_232, %get3A_238 : vector<16xf32>
      %mul3A_240 = arith.constant 16 : i32
      %mul3A_241 = arith.muli %scan3A_177, %mul3A_240 : i32
      %get3A_242 = arith.constant 9 : i32
      %get3A_243 = arith.index_cast %get3A_242 : i32 to index
      %get3A_244 = arith.index_cast %mul3A_241 : i32 to index
      %get3A_245 = tpu.vector_load %arg9[%get3A_243, %get3A_244] {strides = array<i32>} : memref<16x512xf32, #tpu.memory_space<vmem>>, vector<16xf32>,
      %add3A_246 = arith.addf %add3A_239, %get3A_245 : vector<16xf32>
      %mul3A_247 = arith.constant 16 : i32
      %mul3A_248 = arith.muli %scan3A_177, %mul3A_247 : i32
      %get3A_249 = arith.constant 10 : i32
      %get3A_250 = arith.index_cast %get3A_249 : i32 to index
      %get3A_251 = arith.index_cast %mul3A_248 : i32 to index
      %get3A_252 = tpu.vector_load %arg9[%get3A_250, %get3A_251] {strides = array<i32>} : memref<16x512xf32, #tpu.memory_space<vmem>>, vector<16xf32>,
      %add3A_253 = arith.addf %add3A_246, %get3A_252 : vector<16xf32>
      %mul3A_254 = arith.constant 16 : i32
      %mul3A_255 = arith.muli %scan3A_177, %mul3A_254 : i32
      %get3A_256 = arith.constant 11 : i32
      %get3A_257 = arith.index_cast %get3A_256 : i32 to index
      %get3A_258 = arith.index_cast %mul3A_255 : i32 to index
      %get3A_259 = tpu.vector_load %arg9[%get3A_257, %get3A_258] {strides = array<i32>} : memref<16x512xf32, #tpu.memory_space<vmem>>, vector<16xf32>,
      %add3A_260 = arith.addf %add3A_253, %get3A_259 : vector<16xf32>
      %mul3A_261 = arith.constant 16 : i32
      %mul3A_262 = arith.muli %scan3A_177, %mul3A_261 : i32
      %get3A_263 = arith.constant 12 : i32
      %get3A_264 = arith.index_cast %get3A_263 : i32 to index
      %get3A_265 = arith.index_cast %mul3A_262 : i32 to index
      %get3A_266 = tpu.vector_load %arg9[%get3A_264, %get3A_265] {strides = array<i32>} : memref<16x512xf32, #tpu.memory_space<vmem>>, vector<16xf32>,
      %add3A_267 = arith.addf %add3A_260, %get3A_266 : vector<16xf32>
      %mul3A_268 = arith.constant 16 : i32
      %mul3A_269 = arith.muli %scan3A_177, %mul3A_268 : i32
      %get3A_270 = arith.constant 13 : i32
      %get3A_271 = arith.index_cast %get3A_270 : i32 to index
      %get3A_272 = arith.index_cast %mul3A_269 : i32 to index
      %get3A_273 = tpu.vector_load %arg9[%get3A_271, %get3A_272] {strides = array<i32>} : memref<16x512xf32, #tpu.memory_space<vmem>>, vector<16xf32>,
      %add3A_274 = arith.addf %add3A_267, %get3A_273 : vector<16xf32>
      %mul3A_275 = arith.constant 16 : i32
      %mul3A_276 = arith.muli %scan3A_177, %mul3A_275 : i32
      %get3A_277 = arith.constant 14 : i32
      %get3A_278 = arith.index_cast %get3A_277 : i32 to index
      %get3A_279 = arith.index_cast %mul3A_276 : i32 to index
      %get3A_280 = tpu.vector_load %arg9[%get3A_278, %get3A_279] {strides = array<i32>} : memref<16x512xf32, #tpu.memory_space<vmem>>, vector<16xf32>,
      %add3A_281 = arith.addf %add3A_274, %get3A_280 : vector<16xf32>
      %mul3A_282 = arith.constant 16 : i32
      %mul3A_283 = arith.muli %scan3A_177, %mul3A_282 : i32
      %get3A_284 = arith.constant 15 : i32
      %get3A_285 = arith.index_cast %get3A_284 : i32 to index
      %get3A_286 = arith.index_cast %mul3A_283 : i32 to index
      %get3A_287 = tpu.vector_load %arg9[%get3A_285, %get3A_286] {strides = array<i32>} : memref<16x512xf32, #tpu.memory_space<vmem>>, vector<16xf32>,
      %add3A_288 = arith.addf %add3A_281, %get3A_287 : vector<16xf32>
      %mul3A_289 = arith.constant 16 : i32
      %mul3A_290 = arith.muli %scan3A_177, %mul3A_289 : i32
      %swap3A_291 = arith.index_cast %mul3A_290 : i32 to index
      %swap3A_292 = tpu.vector_load %arg10[%swap3A_291] {strides = array<i32>} : memref<512xf32, #tpu.memory_space<vmem>>, vector<16xf32>,
      tpu.vector_store %arg10[%swap3A_291], %add3A_288 {strides = array<i32>} : memref<512xf32, #tpu.memory_space<vmem>>, vector<16xf32>,
      %scan3A_293 = arith.constant 0 : i32
      scf.yield %scan3A_293 : i32
    }
    %scan3A_56 = arith.constant 32 : i32
    "tpu.region"() ({
      %run_scoped3A = tpu.sem_alloc : memref<!tpu.dma_semaphore, #tpu.memory_space<semaphore_mem>>
      %dma_start3A_60 = arith.constant 0 : i32
      %dma_start3A_61 = tpu.memref_slice %arg18[%arg1, %dma_start3A_60] : memref<16x512xf32, #tpu.memory_space<vmem_shared>> -> memref<1x512xf32, #tpu.memory_space<vmem_shared>>
      %dma_start3A_62 = tpu.memref_squeeze %dma_start3A_61 : memref<1x512xf32, #tpu.memory_space<vmem_shared>> -> memref<512xf32, #tpu.memory_space<vmem_shared>>
      %dma_start3A_63 = arith.constant 0 : i32
      %dma_start3A_64 = tpu.memref_slice %arg18[%arg1, %dma_start3A_63] : memref<16x512xf32, #tpu.memory_space<vmem_shared>> -> memref<1x512xf32, #tpu.memory_space<vmem_shared>>
      %dma_start3A_65 = tpu.memref_squeeze %dma_start3A_64 : memref<1x512xf32, #tpu.memory_space<vmem_shared>> -> memref<512xf32, #tpu.memory_space<vmem_shared>>
      tpu.enqueue_dma source(%arg10 : memref<512xf32, #tpu.memory_space<vmem>>) target(%dma_start3A_65 : memref<512xf32, #tpu.memory_space<vmem_shared>>) target_semaphore(%run_scoped3A : memref<!tpu.dma_semaphore, #tpu.memory_space<semaphore_mem>>)
      %dma_wait3A_66 = arith.constant 0 : i32
      %dma_wait3A_67 = tpu.memref_slice %arg18[%arg1, %dma_wait3A_66] : memref<16x512xf32, #tpu.memory_space<vmem_shared>> -> memref<1x512xf32, #tpu.memory_space<vmem_shared>>
      %dma_wait3A_68 = tpu.memref_squeeze %dma_wait3A_67 : memref<1x512xf32, #tpu.memory_space<vmem_shared>> -> memref<512xf32, #tpu.memory_space<vmem_shared>>
      %dma_wait3A_69 = arith.constant 0 : i32
      %dma_wait3A_70 = tpu.memref_slice %arg18[%arg1, %dma_wait3A_69] : memref<16x512xf32, #tpu.memory_space<vmem_shared>> -> memref<1x512xf32, #tpu.memory_space<vmem_shared>>
      %dma_wait3A_71 = tpu.memref_squeeze %dma_wait3A_70 : memref<1x512xf32, #tpu.memory_space<vmem_shared>> -> memref<512xf32, #tpu.memory_space<vmem_shared>>
      tpu.wait_dma2 semaphore(%run_scoped3A : memref<!tpu.dma_semaphore, #tpu.memory_space<semaphore_mem>>) src(%arg10 : memref<512xf32, #tpu.memory_space<vmem>>) dst(%dma_wait3A_71 : memref<512xf32, #tpu.memory_space<vmem_shared>>)
      tpu.yield
    }) : () -> ()
    %barrier3A_57 = arith.constant 0 : index
    tpu.barrier barrier_id(%barrier3A_57)
    %eq3A = arith.constant 0 : i32
    %eq3A_58 = arith.cmpi eq, %arg1, %eq3A : i32
    %convert_element_type3A = arith.extui %eq3A_58 : i1 to i32
    %cond3A = arith.constant 0 : i32
    %cond3A_59 = arith.cmpi ne, %convert_element_type3A, %cond3A : i32
    scf.if %cond3A_59 {
      tpu.enqueue_dma source(%arg2 : memref<128xi32, #tpu.memory_space<hbm>>) target(%arg7 : memref<128xi32, #tpu.memory_space<vmem>>) target_semaphore(%arg15 : memref<!tpu.dma_semaphore, #tpu.memory_space<semaphore_mem>>)
      "tpu.region"() ({
        %run_scoped3A = tpu.sem_alloc : memref<!tpu.dma_semaphore, #tpu.memory_space<semaphore_mem>>
        tpu.enqueue_dma source(%arg18 : memref<16x512xf32, #tpu.memory_space<vmem_shared>>) target(%arg11 : memref<16x512xf32, #tpu.memory_space<vmem>>) target_semaphore(%run_scoped3A : memref<!tpu.dma_semaphore, #tpu.memory_space<semaphore_mem>>)
        tpu.wait_dma2 semaphore(%run_scoped3A : memref<!tpu.dma_semaphore, #tpu.memory_space<semaphore_mem>>) src(%arg18 : memref<16x512xf32, #tpu.memory_space<vmem_shared>>) dst(%arg11 : memref<16x512xf32, #tpu.memory_space<vmem>>)
        tpu.yield
      }) : () -> ()
      %scan3A_60 = arith.constant 0 : i32
      %scan3A_61 = arith.constant 32 : i32
      %scan3A_62 = arith.addi %scan3A_60, %scan3A_61 : i32
      %scan3A_63 = arith.constant 1 : i32
      %scan3A_64:2 = scf.for %scan3A_107 = %scan3A_60 to %scan3A_62 step %scan3A_63 iter_args(%scan3A_108 = %broadcast_in_dim3A_0, %scan3A_109 = %broadcast_in_dim3A_0) -> (vector<16xf32>, vector<16xf32>)  : i32 {
        %scan3A_110 = arith.constant 0 : i32
        %scan3A_111 = arith.constant 16 : i32
        %scan3A_112 = arith.addi %scan3A_110, %scan3A_111 : i32
        %scan3A_113 = arith.constant 8 : i32
        %scan3A_114:2 = scf.for %scan3A_118 = %scan3A_110 to %scan3A_112 step %scan3A_113 iter_args(%scan3A_119 = %scan3A_108, %scan3A_120 = %broadcast_in_dim3A_0) -> (vector<16xf32>, vector<16xf32>)  : i32 {
          %mul3A_121 = arith.constant 16 : i32
          %mul3A_122 = arith.muli %scan3A_107, %mul3A_121 : i32
          %get3A_123 = arith.index_cast %scan3A_118 : i32 to index
          %get3A_124 = arith.index_cast %mul3A_122 : i32 to index
          %get3A_125 = tpu.vector_load %arg11[%get3A_123, %get3A_124] {strides = array<i32>} : memref<16x512xf32, #tpu.memory_space<vmem>>, vector<16xf32>,
          %mul3A_126 = arith.mulf %get3A_125, %get3A_125 : vector<16xf32>
          %add3A_127 = arith.addf %scan3A_119, %mul3A_126 : vector<16xf32>
          %add3A_128 = arith.addf %scan3A_120, %get3A_125 : vector<16xf32>
          %scan3A_129 = arith.constant 1 : i32
          %scan3A_130 = arith.addi %scan3A_118, %scan3A_129 : i32
          %mul3A_131 = arith.constant 16 : i32
          %mul3A_132 = arith.muli %scan3A_107, %mul3A_131 : i32
          %get3A_133 = arith.index_cast %scan3A_130 : i32 to index
          %get3A_134 = arith.index_cast %mul3A_132 : i32 to index
          %get3A_135 = tpu.vector_load %arg11[%get3A_133, %get3A_134] {strides = array<i32>} : memref<16x512xf32, #tpu.memory_space<vmem>>, vector<16xf32>,
          %mul3A_136 = arith.mulf %get3A_135, %get3A_135 : vector<16xf32>
          %add3A_137 = arith.addf %add3A_127, %mul3A_136 : vector<16xf32>
          %add3A_138 = arith.addf %add3A_128, %get3A_135 : vector<16xf32>
          %scan3A_139 = arith.constant 2 : i32
          %scan3A_140 = arith.addi %scan3A_118, %scan3A_139 : i32
          %mul3A_141 = arith.constant 16 : i32
          %mul3A_142 = arith.muli %scan3A_107, %mul3A_141 : i32
          %get3A_143 = arith.index_cast %scan3A_140 : i32 to index
          %get3A_144 = arith.index_cast %mul3A_142 : i32 to index
          %get3A_145 = tpu.vector_load %arg11[%get3A_143, %get3A_144] {strides = array<i32>} : memref<16x512xf32, #tpu.memory_space<vmem>>, vector<16xf32>,
          %mul3A_146 = arith.mulf %get3A_145, %get3A_145 : vector<16xf32>
          %add3A_147 = arith.addf %add3A_137, %mul3A_146 : vector<16xf32>
          %add3A_148 = arith.addf %add3A_138, %get3A_145 : vector<16xf32>
          %scan3A_149 = arith.constant 3 : i32
          %scan3A_150 = arith.addi %scan3A_118, %scan3A_149 : i32
          %mul3A_151 = arith.constant 16 : i32
          %mul3A_152 = arith.muli %scan3A_107, %mul3A_151 : i32
          %get3A_153 = arith.index_cast %scan3A_150 : i32 to index
          %get3A_154 = arith.index_cast %mul3A_152 : i32 to index
          %get3A_155 = tpu.vector_load %arg11[%get3A_153, %get3A_154] {strides = array<i32>} : memref<16x512xf32, #tpu.memory_space<vmem>>, vector<16xf32>,
          %mul3A_156 = arith.mulf %get3A_155, %get3A_155 : vector<16xf32>
          %add3A_157 = arith.addf %add3A_147, %mul3A_156 : vector<16xf32>
          %add3A_158 = arith.addf %add3A_148, %get3A_155 : vector<16xf32>
          %scan3A_159 = arith.constant 4 : i32
          %scan3A_160 = arith.addi %scan3A_118, %scan3A_159 : i32
          %mul3A_161 = arith.constant 16 : i32
          %mul3A_162 = arith.muli %scan3A_107, %mul3A_161 : i32
          %get3A_163 = arith.index_cast %scan3A_160 : i32 to index
          %get3A_164 = arith.index_cast %mul3A_162 : i32 to index
          %get3A_165 = tpu.vector_load %arg11[%get3A_163, %get3A_164] {strides = array<i32>} : memref<16x512xf32, #tpu.memory_space<vmem>>, vector<16xf32>,
          %mul3A_166 = arith.mulf %get3A_165, %get3A_165 : vector<16xf32>
          %add3A_167 = arith.addf %add3A_157, %mul3A_166 : vector<16xf32>
          %add3A_168 = arith.addf %add3A_158, %get3A_165 : vector<16xf32>
          %scan3A_169 = arith.constant 5 : i32
          %scan3A_170 = arith.addi %scan3A_118, %scan3A_169 : i32
          %mul3A_171 = arith.constant 16 : i32
          %mul3A_172 = arith.muli %scan3A_107, %mul3A_171 : i32
          %get3A_173 = arith.index_cast %scan3A_170 : i32 to index
          %get3A_174 = arith.index_cast %mul3A_172 : i32 to index
          %get3A_175 = tpu.vector_load %arg11[%get3A_173, %get3A_174] {strides = array<i32>} : memref<16x512xf32, #tpu.memory_space<vmem>>, vector<16xf32>,
          %mul3A_176 = arith.mulf %get3A_175, %get3A_175 : vector<16xf32>
          %add3A_177 = arith.addf %add3A_167, %mul3A_176 : vector<16xf32>
          %add3A_178 = arith.addf %add3A_168, %get3A_175 : vector<16xf32>
          %scan3A_179 = arith.constant 6 : i32
          %scan3A_180 = arith.addi %scan3A_118, %scan3A_179 : i32
          %mul3A_181 = arith.constant 16 : i32
          %mul3A_182 = arith.muli %scan3A_107, %mul3A_181 : i32
          %get3A_183 = arith.index_cast %scan3A_180 : i32 to index
          %get3A_184 = arith.index_cast %mul3A_182 : i32 to index
          %get3A_185 = tpu.vector_load %arg11[%get3A_183, %get3A_184] {strides = array<i32>} : memref<16x512xf32, #tpu.memory_space<vmem>>, vector<16xf32>,
          %mul3A_186 = arith.mulf %get3A_185, %get3A_185 : vector<16xf32>
          %add3A_187 = arith.addf %add3A_177, %mul3A_186 : vector<16xf32>
          %add3A_188 = arith.addf %add3A_178, %get3A_185 : vector<16xf32>
          %scan3A_189 = arith.constant 7 : i32
          %scan3A_190 = arith.addi %scan3A_118, %scan3A_189 : i32
          %mul3A_191 = arith.constant 16 : i32
          %mul3A_192 = arith.muli %scan3A_107, %mul3A_191 : i32
          %get3A_193 = arith.index_cast %scan3A_190 : i32 to index
          %get3A_194 = arith.index_cast %mul3A_192 : i32 to index
          %get3A_195 = tpu.vector_load %arg11[%get3A_193, %get3A_194] {strides = array<i32>} : memref<16x512xf32, #tpu.memory_space<vmem>>, vector<16xf32>,
          %mul3A_196 = arith.mulf %get3A_195, %get3A_195 : vector<16xf32>
          %add3A_197 = arith.addf %add3A_187, %mul3A_196 : vector<16xf32>
          %add3A_198 = arith.addf %add3A_188, %get3A_195 : vector<16xf32>
          scf.yield %add3A_197, %add3A_198 : vector<16xf32>, vector<16xf32>
        }
        %scan3A_115 = arith.constant 16 : i32
        %mul3A_116 = arith.mulf %scan3A_114#1, %scan3A_114#1 : vector<16xf32>
        %add3A_117 = arith.addf %scan3A_109, %mul3A_116 : vector<16xf32>
        scf.yield %scan3A_114#0, %add3A_117 : vector<16xf32>, vector<16xf32>
      }
      %scan3A_65 = arith.constant 32 : i32
      %reduce_sum3A = arith.constant true
      %reduce_sum3A_66 = vector.broadcast %reduce_sum3A : i1 to vector<16xi1>
      %reduce_sum3A_67 = tpu.scan <sum>, %scan3A_64#0 masked %reduce_sum3A_66 : vector<16xf32>, vector<16xi1> -> vector<16xf32>
      %reduce_sum3A_68 = vector.extract %reduce_sum3A_67[15] : f32 from vector<16xf32>
      %broadcast_in_dim3A_69 = vector.broadcast %reduce_sum3A_68 : f32 to vector<16xf32>
      %reduce_sum3A_70 = arith.constant true
      %reduce_sum3A_71 = vector.broadcast %reduce_sum3A_70 : i1 to vector<16xi1>
      %reduce_sum3A_72 = tpu.scan <sum>, %scan3A_64#1 masked %reduce_sum3A_71 : vector<16xf32>, vector<16xi1> -> vector<16xf32>
      %reduce_sum3A_73 = vector.extract %reduce_sum3A_72[15] : f32 from vector<16xf32>
      %broadcast_in_dim3A_74 = vector.broadcast %reduce_sum3A_73 : f32 to vector<16xf32>
      tpu.wait_dma2 semaphore(%arg15 : memref<!tpu.dma_semaphore, #tpu.memory_space<semaphore_mem>>) src(%arg2 : memref<128xi32, #tpu.memory_space<hbm>>) dst(%arg7 : memref<128xi32, #tpu.memory_space<vmem>>)
      %get3A_75 = arith.constant 0 : index
      %get3A_76 = tpu.vector_load %arg7[%get3A_75] {strides = array<i32>} : memref<128xi32, #tpu.memory_space<vmem>>, vector<16xi32>,
      %get3A_77 = arith.constant 16 : index
      %get3A_78 = tpu.vector_load %arg7[%get3A_77] {strides = array<i32>} : memref<128xi32, #tpu.memory_space<vmem>>, vector<16xi32>,
      %get3A_79 = arith.constant 32 : index
      %get3A_80 = tpu.vector_load %arg7[%get3A_79] {strides = array<i32>} : memref<128xi32, #tpu.memory_space<vmem>>, vector<16xi32>,
      %get3A_81 = arith.constant 48 : index
      %get3A_82 = tpu.vector_load %arg7[%get3A_81] {strides = array<i32>} : memref<128xi32, #tpu.memory_space<vmem>>, vector<16xi32>,
      %get3A_83 = arith.constant 64 : index
      %get3A_84 = tpu.vector_load %arg7[%get3A_83] {strides = array<i32>} : memref<128xi32, #tpu.memory_space<vmem>>, vector<16xi32>,
      %get3A_85 = arith.constant 80 : index
      %get3A_86 = tpu.vector_load %arg7[%get3A_85] {strides = array<i32>} : memref<128xi32, #tpu.memory_space<vmem>>, vector<16xi32>,
      %get3A_87 = arith.constant 96 : index
      %get3A_88 = tpu.vector_load %arg7[%get3A_87] {strides = array<i32>} : memref<128xi32, #tpu.memory_space<vmem>>, vector<16xi32>,
      %get3A_89 = arith.constant 112 : index
      %get3A_90 = tpu.vector_load %arg7[%get3A_89] {strides = array<i32>} : memref<128xi32, #tpu.memory_space<vmem>>, vector<16xi32>,
      %scan3A_91 = arith.constant 0 : i32
      %scan3A_92 = arith.constant 16 : i32
      %scan3A_93 = arith.addi %scan3A_91, %scan3A_92 : i32
      %scan3A_94 = arith.constant 1 : i32
      %scan3A_95 = scf.for %scan3A_107 = %scan3A_91 to %scan3A_93 step %scan3A_94 iter_args(%scan3A_108 = %broadcast_in_dim3A_0) -> (vector<16xf32>)  : i32 {
        %broadcast_in_dim3A_109 = vector.broadcast %scan3A_107 : i32 to vector<16xi32>
        %eq3A_110 = arith.cmpi eq, %get3A_76, %broadcast_in_dim3A_109 : vector<16xi32>
        %jit3A = arith.constant 1.000000e+00 : f32
        %jit3A_111 = arith.constant 0.000000e+00 : f32
        %broadcast_in_dim3A_112 = vector.broadcast %jit3A : f32 to vector<16xf32>
        %broadcast_in_dim3A_113 = vector.broadcast %jit3A_111 : f32 to vector<16xf32>
        %select_n3A = arith.select %eq3A_110, %broadcast_in_dim3A_112, %broadcast_in_dim3A_113 : vector<16xi1>, vector<16xf32>
        %add3A_114 = arith.addf %broadcast_in_dim3A_0, %select_n3A : vector<16xf32>
        %eq3A_115 = arith.cmpi eq, %get3A_78, %broadcast_in_dim3A_109 : vector<16xi32>
        %jit3A_116 = arith.constant 1.000000e+00 : f32
        %jit3A_117 = arith.constant 0.000000e+00 : f32
        %broadcast_in_dim3A_118 = vector.broadcast %jit3A_116 : f32 to vector<16xf32>
        %broadcast_in_dim3A_119 = vector.broadcast %jit3A_117 : f32 to vector<16xf32>
        %select_n3A_120 = arith.select %eq3A_115, %broadcast_in_dim3A_118, %broadcast_in_dim3A_119 : vector<16xi1>, vector<16xf32>
        %add3A_121 = arith.addf %add3A_114, %select_n3A_120 : vector<16xf32>
        %eq3A_122 = arith.cmpi eq, %get3A_80, %broadcast_in_dim3A_109 : vector<16xi32>
        %jit3A_123 = arith.constant 1.000000e+00 : f32
        %jit3A_124 = arith.constant 0.000000e+00 : f32
        %broadcast_in_dim3A_125 = vector.broadcast %jit3A_123 : f32 to vector<16xf32>
        %broadcast_in_dim3A_126 = vector.broadcast %jit3A_124 : f32 to vector<16xf32>
        %select_n3A_127 = arith.select %eq3A_122, %broadcast_in_dim3A_125, %broadcast_in_dim3A_126 : vector<16xi1>, vector<16xf32>
        %add3A_128 = arith.addf %add3A_121, %select_n3A_127 : vector<16xf32>
        %eq3A_129 = arith.cmpi eq, %get3A_82, %broadcast_in_dim3A_109 : vector<16xi32>
        %jit3A_130 = arith.constant 1.000000e+00 : f32
        %jit3A_131 = arith.constant 0.000000e+00 : f32
        %broadcast_in_dim3A_132 = vector.broadcast %jit3A_130 : f32 to vector<16xf32>
        %broadcast_in_dim3A_133 = vector.broadcast %jit3A_131 : f32 to vector<16xf32>
        %select_n3A_134 = arith.select %eq3A_129, %broadcast_in_dim3A_132, %broadcast_in_dim3A_133 : vector<16xi1>, vector<16xf32>
        %add3A_135 = arith.addf %add3A_128, %select_n3A_134 : vector<16xf32>
        %eq3A_136 = arith.cmpi eq, %get3A_84, %broadcast_in_dim3A_109 : vector<16xi32>
        %jit3A_137 = arith.constant 1.000000e+00 : f32
        %jit3A_138 = arith.constant 0.000000e+00 : f32
        %broadcast_in_dim3A_139 = vector.broadcast %jit3A_137 : f32 to vector<16xf32>
        %broadcast_in_dim3A_140 = vector.broadcast %jit3A_138 : f32 to vector<16xf32>
        %select_n3A_141 = arith.select %eq3A_136, %broadcast_in_dim3A_139, %broadcast_in_dim3A_140 : vector<16xi1>, vector<16xf32>
        %add3A_142 = arith.addf %add3A_135, %select_n3A_141 : vector<16xf32>
        %eq3A_143 = arith.cmpi eq, %get3A_86, %broadcast_in_dim3A_109 : vector<16xi32>
        %jit3A_144 = arith.constant 1.000000e+00 : f32
        %jit3A_145 = arith.constant 0.000000e+00 : f32
        %broadcast_in_dim3A_146 = vector.broadcast %jit3A_144 : f32 to vector<16xf32>
        %broadcast_in_dim3A_147 = vector.broadcast %jit3A_145 : f32 to vector<16xf32>
        %select_n3A_148 = arith.select %eq3A_143, %broadcast_in_dim3A_146, %broadcast_in_dim3A_147 : vector<16xi1>, vector<16xf32>
        %add3A_149 = arith.addf %add3A_142, %select_n3A_148 : vector<16xf32>
        %eq3A_150 = arith.cmpi eq, %get3A_88, %broadcast_in_dim3A_109 : vector<16xi32>
        %jit3A_151 = arith.constant 1.000000e+00 : f32
        %jit3A_152 = arith.constant 0.000000e+00 : f32
        %broadcast_in_dim3A_153 = vector.broadcast %jit3A_151 : f32 to vector<16xf32>
        %broadcast_in_dim3A_154 = vector.broadcast %jit3A_152 : f32 to vector<16xf32>
        %select_n3A_155 = arith.select %eq3A_150, %broadcast_in_dim3A_153, %broadcast_in_dim3A_154 : vector<16xi1>, vector<16xf32>
        %add3A_156 = arith.addf %add3A_149, %select_n3A_155 : vector<16xf32>
        %eq3A_157 = arith.cmpi eq, %get3A_90, %broadcast_in_dim3A_109 : vector<16xi32>
        %jit3A_158 = arith.constant 1.000000e+00 : f32
        %jit3A_159 = arith.constant 0.000000e+00 : f32
        %broadcast_in_dim3A_160 = vector.broadcast %jit3A_158 : f32 to vector<16xf32>
        %broadcast_in_dim3A_161 = vector.broadcast %jit3A_159 : f32 to vector<16xf32>
        %select_n3A_162 = arith.select %eq3A_157, %broadcast_in_dim3A_160, %broadcast_in_dim3A_161 : vector<16xi1>, vector<16xf32>
        %add3A_163 = arith.addf %add3A_156, %select_n3A_162 : vector<16xf32>
        %reduce_sum3A_164 = arith.constant true
        %reduce_sum3A_165 = vector.broadcast %reduce_sum3A_164 : i1 to vector<16xi1>
        %reduce_sum3A_166 = tpu.scan <sum>, %add3A_163 masked %reduce_sum3A_165 : vector<16xf32>, vector<16xi1> -> vector<16xf32>
        %reduce_sum3A_167 = vector.extract %reduce_sum3A_166[15] : f32 from vector<16xf32>
        %broadcast_in_dim3A_168 = vector.broadcast %reduce_sum3A_167 : f32 to vector<16xf32>
        %mul3A_169 = arith.mulf %broadcast_in_dim3A_168, %broadcast_in_dim3A_168 : vector<16xf32>
        %add3A_170 = arith.addf %scan3A_108, %mul3A_169 : vector<16xf32>
        scf.yield %add3A_170 : vector<16xf32>
      }
      %scan3A_96 = arith.constant 16 : i32
      %sub3A = arith.constant 1.638400e+04 : f32
      %sub3A_97 = vector.broadcast %sub3A : f32 to vector<16xf32>
      %sub3A_98 = arith.subf %sub3A_97, %scan3A_95 : vector<16xf32>
      %div3A = arith.divf %broadcast_in_dim3A_69, %scan3A_95 : vector<16xf32>
      %sub3A_99 = arith.subf %broadcast_in_dim3A_74, %broadcast_in_dim3A_69 : vector<16xf32>
      %div3A_100 = arith.divf %sub3A_99, %sub3A_98 : vector<16xf32>
      %sub3A_101 = arith.subf %div3A, %div3A_100 : vector<16xf32>
      %add3A = arith.constant 1.000000e-01 : f32
      %add3A_102 = vector.broadcast %add3A : f32 to vector<16xf32>
      %add3A_103 = arith.addf %sub3A_101, %add3A_102 : vector<16xf32>
      %max3A = arith.constant 0.000000e+00 : f32
      %max3A_104 = vector.broadcast %max3A : f32 to vector<16xf32>
      %max3A_105 = arith.maximumf %add3A_103, %max3A_104 : vector<16xf32>
      %swap3A = arith.constant 0 : index
      %swap3A_106 = tpu.vector_load %arg12[%swap3A] {strides = array<i32>} : memref<16xf32, #tpu.memory_space<vmem>>, vector<16xf32>,
      tpu.vector_store %arg12[%swap3A], %max3A_105 {strides = array<i32>} : memref<16xf32, #tpu.memory_space<vmem>>, vector<16xf32>,
      "tpu.region"() ({
        %run_scoped3A = tpu.sem_alloc : memref<!tpu.dma_semaphore, #tpu.memory_space<semaphore_mem>>
        %dma_start3A_107 = arith.constant 0 : i32
        %dma_start3A_108 = tpu.memref_slice %arg12[%dma_start3A_107] : memref<16xf32, #tpu.memory_space<vmem>> -> memref<1xf32, #tpu.memory_space<vmem>>
        %dma_start3A_109 = arith.constant 0 : i32
        %dma_start3A_110 = tpu.memref_slice %arg12[%dma_start3A_109] : memref<16xf32, #tpu.memory_space<vmem>> -> memref<1xf32, #tpu.memory_space<vmem>>
        tpu.enqueue_dma source(%dma_start3A_110 : memref<1xf32, #tpu.memory_space<vmem>>) target(%arg4 : memref<1xf32, #tpu.memory_space<hbm>>) target_semaphore(%run_scoped3A : memref<!tpu.dma_semaphore, #tpu.memory_space<semaphore_mem>>)
        %dma_wait3A_111 = arith.constant 0 : i32
        %dma_wait3A_112 = tpu.memref_slice %arg12[%dma_wait3A_111] : memref<16xf32, #tpu.memory_space<vmem>> -> memref<1xf32, #tpu.memory_space<vmem>>
        %dma_wait3A_113 = arith.constant 0 : i32
        %dma_wait3A_114 = tpu.memref_slice %arg12[%dma_wait3A_113] : memref<16xf32, #tpu.memory_space<vmem>> -> memref<1xf32, #tpu.memory_space<vmem>>
        tpu.wait_dma2 semaphore(%run_scoped3A : memref<!tpu.dma_semaphore, #tpu.memory_space<semaphore_mem>>) src(%dma_wait3A_114 : memref<1xf32, #tpu.memory_space<vmem>>) dst(%arg4 : memref<1xf32, #tpu.memory_space<hbm>>)
        tpu.yield
      }) : () -> ()
    } else {
    }
    return
  }
}

</mosaic_0001>

<sc_bundles>
// kernel: _triplet_sc.3.cloned.1.call-start
scs
__scs_entry_jumppad:
0x0: {  	(pc) =	sbr.rel $0x88, $3  }
0x1: {  	(tag) =	ssettag $0x0;
	lr =	simm.s32 $0x1  }
0x2: {  	[smem:$0x3F9F] =	sst lr;
	_ =	strace $0xD0000000  }
0x3: {  	_ = 	snop  }
0x4: {  	_ = 	snop  }
0x5: {  	_ = 	snop  }
0x6: {  	_ = 	snop  }
0x7: {  	_ = 	snop  }
__scs_overlays_trampoline_lowered:
0x8: {  	[smem:$0x3FAE] =	sst s0  }
0x9: {  	[smem:$0x3FAF] =	sst s1  }
0xa: {  	[smem:$0x3FB0] =	sst s2  }
0xb: {  	[smem:$0x3FB1] =	sst s3  }
0xc: {  	[smem:$0x3FB2] =	sst s4  }
0xd: {  	[smem:$0x3FB3] =	sst s5  }
0xe: {  	[smem:$0x3FB4] =	sst s6  }
0xf: {  	[smem:$0x3FB5] =	sst s7  }
0x10: {  	[smem:$0x3FB6] =	sst s8  }
0x11: {  	[smem:$0x3FB7] =	sst s9;
	s0 =	simm.s32 @!p0 $0x0  }
0x12: {  	s1 =	sld [smem:$0x3F9D];
	s0 =	simm.s32 @p0 $0x1  }
0x13: {  	[smem:$0x3FB8] =	sst s0;
	s0 =	simm.s32 @!p1 $0x0  }
0x14: {  	s2 =	sld [smem:$0x3F9C];
	s0 =	simm.s32 @p1 $0x1  }
0x15: {  	[smem:$0x3FB9] =	sst s0;
	s0 =	simm.s32 @!p2 $0x0  }
0x16: {  	s3 =	sld [smem:$0x3FDB];
	s0 =	simm.s32 @p2 $0x1  }
0x17: {  	s4 =	simm.s32 $0x1BF5;
	[smem:$0x3FBB] =	sst s0  }
0x18: {  	s0 =	sld [smem:$0x3F9E];
	_ =	swait.ge [sflag:s4], $0x0  }
0x19: {  	s7 =	sld [smem:$0x3F9F]  }
0x1a: {  	s8 =	sadd.s32 $0xFFFFE003, lr  }
0x1b: {  	s9 =	sadd.s32 $0xFFFFFEF7, lr;
	s5 =	simm.s32 $0xFFFFFFFF;
	p2 =	slt.u32 s8, $0xFFFFF086  }
0x1c: {  	p1 =	slt.u32 s9, $0xF7A;
	s5 =	simm.s32 @!p2 $0x0  }
0x1d: {  	s5 =	simm.s32 @p1 $0x1;
	p0 =	seq.s32 s7, s2  }
0x1e: {  	s7 =	smul.u32 @!p0 $0xF7A, s2;
	p2 =	seq.s32 @!p0 s5, $0x0  }
0x1f: {  	s9 =	smul.u32 $0xF7A, s1;
	s8 =	simm.s32 @!p0 $0x1BF5;
	p2 =	por !p2, p0  }
0x20: {  	[sflag:s8] =	ssyncset.s32 @!p0 $0xFFFFF086;
	s6 =	sadd.s32 @!p0 s3, s7;
	s7 =	simm.s32 @!p0 $0x108  }
0x21: {  	s3 =	sadd.s32 s3, s9;
	s6 =	sadd.s32 @!p0 $0x88, s6;
	s7 =	simm.s32 @p2 $0x1082  }
0x22: {  	[simem:s7], [sflag:s8] =	dma.local @!p0 [hbm:s6], $0xF7A  }
0x23: {  	s9 =	sor.u32 $0xD0000000, s2;
	s6 =	simm.s32 $0x108;
	_ =	swait.ge @!p0 [sflag:s8], $0x0  }
0x24: {  	s3 =	sadd.s32 $0x88, s3;
	s6 =	simm.s32 @!p1 $0x1082;
	[sflag:s4] =	ssyncset.s32 $0xFFFFF086  }
0x25: {  	[simem:s6], [sflag:s4] =	dma.local [hbm:s3], $0xF7A  }
0x26: {  	[smem:$0x3F9F] =	sst s1;
	(tag) =	ssettag s2;
	_ =	strace s9  }
0x27: {  	s1 =	sld [smem:$0x3FAF]  }
0x28: {  	s2 =	sld [smem:$0x3FB0]  }
0x29: {  	s4 =	sld [smem:$0x3FB2]  }
0x2a: {  	p0 =	seq.s32 s5, $0x0;
	s5 =	sld [smem:$0x3FB3]  }
0x2b: {  	s6 =	sld [smem:$0x3FB4]  }
0x2c: {  	s7 =	sld [smem:$0x3FB5]  }
0x2d: {  	s3 =	simm.s32 $0x108;
	s8 =	sld [smem:$0x3FB6]  }
0x2e: {  	s3 =	simm.s32 @!p0 $0x1082;
	s9 =	sld [smem:$0x3FB7]  }
0x2f: {  	lr =	sadd.s32 s0, s3;
	s0 =	sld [smem:$0x3FAE]  }
0x30: {  	s3 =	sld [smem:$0x3FB1]  }
0x31: {  	[smem:$0x3FBA] =	sst s10  }
0x32: {  	s10 =	sld [smem:$0x3FB8];
	_ =	sdelay $0x3  }
0x33: {  	p0 =	seq.s32 s10, $0x1;
	s10 =	sld [smem:$0x3FBA];
	_ =	sdelay $0x3  }
0x34: {  	[smem:$0x3FBA] =	sst s10  }
0x35: {  	s10 =	sld [smem:$0x3FB9];
	_ =	sdelay $0x3  }
0x36: {  	p1 =	seq.s32 s10, $0x1;
	s10 =	sld [smem:$0x3FBA];
	_ =	sdelay $0x3  }
0x37: {  	[smem:$0x3FBA] =	sst s10  }
0x38: {  	s10 =	sld [smem:$0x3FBB]  }
0x39: {  	_ = 	snop;
	(pc) =	sbr.ind lr, $3  }
0x3a: {  	_ = 	snop  }
0x3b: {  	_ = 	snop  }
0x3c: {  	p2 =	seq.s32 s10, $0x1;
	s10 =	sld [smem:$0x3FBA]  }
0x3d: {  	_ =	shalt  }
0x3e: {  	_ =	shalt  }
0x3f: {  	_ =	shalt  }
0x40: {  	_ =	shalt  }
0x41: {  	_ =	shalt  }
0x42: {  	_ =	shalt  }
0x43: {  	_ =	shalt  }
0x44: {  	_ =	shalt  }
0x45: {  	_ =	shalt  }
0x46: {  	_ =	shalt  }
0x47: {  	_ =	shalt  }
0x48: {  	_ =	shalt  }
0x49: {  	_ =	shalt  }
0x4a: {  	_ =	shalt  }
0x4b: {  	_ =	shalt  }
0x4c: {  	_ =	shalt  }
0x4d: {  	_ =	shalt  }
0x4e: {  	_ =	shalt  }
0x4f: {  	_ =	shalt  }
0x50: {  	_ =	shalt  }
0x51: {  	_ =	shalt  }
0x52: {  	_ =	shalt  }
0x53: {  	_ =	shalt  }
0x54: {  	_ =	shalt  }
0x55: {  	_ =	shalt  }
0x56: {  	_ =	shalt  }
0x57: {  	_ =	shalt  }
0x58: {  	_ =	shalt  }
0x59: {  	_ =	shalt  }
0x5a: {  	_ =	shalt  }
0x5b: {  	_ =	shalt  }
0x5c: {  	_ =	shalt  }
0x5d: {  	_ =	shalt  }
0x5e: {  	_ =	shalt  }
0x5f: {  	_ =	shalt  }
0x60: {  	_ =	shalt  }
0x61: {  	_ =	shalt  }
0x62: {  	_ =	shalt  }
0x63: {  	_ =	shalt  }
0x64: {  	_ =	shalt  }
0x65: {  	_ =	shalt  }
0x66: {  	_ =	shalt  }
0x67: {  	_ =	shalt  }
0x68: {  	_ =	shalt  }
0x69: {  	_ =	shalt  }
0x6a: {  	_ =	shalt  }
0x6b: {  	_ =	shalt  }
0x6c: {  	_ =	shalt  }
0x6d: {  	_ =	shalt  }
0x6e: {  	_ =	shalt  }
0x6f: {  	_ =	shalt  }
0x70: {  	_ =	shalt  }
0x71: {  	_ =	shalt  }
0x72: {  	_ =	shalt  }
0x73: {  	_ =	shalt  }
0x74: {  	_ =	shalt  }
0x75: {  	_ =	shalt  }
0x76: {  	_ =	shalt  }
0x77: {  	_ =	shalt  }
0x78: {  	_ =	shalt  }
0x79: {  	_ =	shalt  }
0x7a: {  	_ =	shalt  }
0x7b: {  	_ =	shalt  }
0x7c: {  	_ =	shalt  }
0x7d: {  	_ =	shalt  }
0x7e: {  	_ =	shalt  }
0x7f: {  	_ =	shalt  }
0x80: {  	_ =	shalt  }
0x81: {  	_ =	shalt  }
0x82: {  	_ =	shalt  }
0x83: {  	_ =	shalt  }
0x84: {  	_ =	shalt  }
0x85: {  	_ =	shalt  }
0x86: {  	_ =	shalt  }
0x87: {  	_ =	shalt  }
.Lfunc_end0:
.L_simem_size_0:
called_computation_lowered:
.L_overlay_start_0:
0x88: {  	s0 =	sld [smem:$0x3FD9]  }
0x89: {  	s1 =	sld [smem:$0x3FFE];
	_ =	sdelay $0x3  }
0x8a: {  	s0 =	sadd.s32 s1, s0  }
0x8b: {  	[smem:$0x3FC6] =	sst s0  }
0x8c: {  	_ = 	snop  }
0x8d: {  	s0 =	sld [smem:$0x3FC9]  }
0x8e: {  	s17 =	sld [smem:$0x3FC8]  }
0x8f: {  	s2 =	sld [smem:$0x3FD0];
	(tm) =	ssettm $0x1  }
0x90: {  	s3 =	sld [smem:$0x3FFB];
	_ =	sdelay $0x3  }
0x91: {  	_ =	strace s3  }
0x92: {  	s3 =	sld [smem:$0x3FFC];
	_ =	sdelay $0x3  }
0x93: {  	_ =	strace s3  }
0x94: {  	s3 =	sld [smem:$0x3FFD];
	_ =	sdelay $0x3  }
0x95: {  	_ =	strace s3  }
0x96: {  	_ =	strace $0x8FFFFFFF  }
0x97: {  	s18 =	sld [smem:$0x3FDB];
	_ =	sdelay $0x1  }
0x98: {  	s4 =	simm.s32 $_scs_section_size  }
0x99: {  	s5 =	simm.s32 $_size__tile_overlayer_lowered;
	s6 =	simm.s32 $_tile_overlayer_lowered  }
0x9a: {  	s21 =	simm.s32 $0x1BFF;
	s20 =	sshll.u32 s6, $0x1;
	s3 =	sadd.s32 s4, s18  }
0x9b: {  	s7 =	simm.s32 $0x0;
	s19 =	sshll.u32 s5, $0x1;
	s5 =	sadd.s32 s20, s3  }
0x9c: {  	[timem:s7], [sflag:s21] =	dma.local [hbm:s5], s19  }
0x9d: {  	_ =	swait.ge [sflag:s21], s19  }
0x9e: {  	s4 =	ssub.s32 $0x0, s19;
	[sflag:s21] =	ssyncset.done $0x0  }
0x9f: {  	[sflag:s21] =	ssyncadd.s32 s4;
	_ =	sdelay $0x1  }
0xa0: {  	s22 =	simm.s32 $0x1B8B  }
0xa1: {  	_ =	swait.ge [sflag:s22], $0x1  }
0xa2: {  	[sflag:s22] =	ssyncset.done $0x0  }
0xa3: {  	s23 =	simm.s32 $0x1B8E;
	[sflag:s22] =	ssyncadd.s32 $0xFFFFFFFF  }
0xa4: {  	s24 =	simm.s32 $execute0_lowered;
	[smem:$0x3FD2] =	sst s23  }
0xa5: {  	s4 =	sshll.u32 s24, $0x1;
	_ =	strace $0x80000046;
	[dreg:$0x1] =	wrdreg $0xFFFFFFFF  }
0xa6: {  	s25 =	simm.s32 $_size_execute0_lowered;
	s3 =	sadd.s32 s3, s4;
	[dreg:$0x0] =	wrdreg $0x0  }
0xa7: {  	s4 =	sshll.u32 s25, $0x1;
	[dreg:$0x2] =	wrdreg s3  }
0xa8: {  	[dreg:$0x3] =	wrdreg s4  }
0xa9: {  	[dreg:$0x4] =	wrdreg $0xC0  }
0xaa: {  	_ =	task [dreg:s7], $0x5FFFF  }
0xab: {  	[dreg:$0x1] =	wrdreg $0xFFFFFFFF  }
0xac: {  	[dreg:$0x0] =	wrdreg $0x60  }
0xad: {  	[dreg:$0x2] =	wrdreg s0  }
0xae: {  	[dreg:$0x3] =	wrdreg s17  }
0xaf: {  	[dreg:$0x4] =	wrdreg s2  }
0xb0: {  	[dreg:$0x5] =	wrdreg $0x73800  }
0xb1: {  	[dreg:$0x6] =	wrdreg $0x93800  }
0xb2: {  	[dreg:$0x7] =	wrdreg $0x9  }
0xb3: {  	_ =	task.clear_ibuf [dreg:s7], $0x8FFFF;
	_ =	strace $0x90000046  }
0xb4: {  	s26 =	simm.s32 $0x9;
	_ =	strace $0x80000048  }
0xb5: {  	_ =	swait.ge [sflag:s26], $0x1  }
0xb6: {  	[sflag:s26] =	ssyncadd.s32 $0xFFFFFFFF  }
0xb7: {  	_ =	strace $0x90000048  }
0xb8: {  	_ =	sfence  }
0xb9: {  	s28 =	sld [smem:$0x0];
	_ =	sdelay $0x1  }
0xba: {  	s29 =	srdreg.scid  }
0xbb: {  	s30 =	sshll.u32 s29, $0xD;
	s31 =	sshrl.u32 s29, $0x2  }
0xbc: {  	s1 =	sand.u32 $0x1, s29;
	s2 =	sand.u32 $0x4000, s30;
	s0 =	sadd.s32 s31, s28  }
0xbd: {  	s1 =	sor.u32 s2, s1;
	s0 =	sshll.u32 s0, $0x11  }
0xbe: {  	s0 =	sor.u32 s0, s1  }
0xbf: {  	s0 =	sadd.s32 $0x8F2B, s0  }
0xc0: {  	[sflag:s0] =	ssyncadd.remote.s32 $0x1  }
0xc1: {  	_ =	sfence.sel $0xFFFF  }
0xc2: {  	[dreg:$0x0] =	wrdreg $0xFFFFFFFF;
	(pc) =	sbr.abs _section_cstart, $3  }
0xc3: {  	[dreg:$0x1] =	wrdreg $0xFFFFFFFF  }
0xc4: {  	_ =	task.clear_ibuf [dreg:s7], $0x2FFFF;
	_ =	strace $0x9FFFFFFF  }
0xc5: {  	(tm) =	ssettm $0x7FFFFFFF  }
tec
execute0_lowered:
.L_overlay_start_1:
0x0: {  	(tag) =	ssettag $0x1  }
0x1: {  	s2 =	rddreg [dreg:$0x0]  }
0x2: {  	s7 =	rddreg [dreg:$0x1]  }
0x3: {  	s1 =	rddreg [dreg:$0x2]  }
0x4: {  	s5 =	rddreg [dreg:$0x3]  }
0x5: {  	s3 =	rddreg [dreg:$0x4];
	s8 =	simm.s32 $0x0;
	s4 =	stileid.u32  }
0x6: {  	[smem:$0x7FF] =	sst s8;
	s6 =	sshll.u32 s4, $0x9  }
0x7: {  	s0 =	rddreg [dreg:$0x5];
	_ =	strace $0x80000047;
	s7 =	sadd.s32 s7, s6  }
0x8: {  	[tilespmem:s8], [sflag:$0x1] =	stream.linear.gather [hbm4b:s7+s8], $0x1000, $0x38;
	[tilespmem:$0x9580] =	vst v63  }
0x9: {  	s9 =	simm.s32 $0x1000;
	s29 =	sadd.s32 s2, s4  }
0xa: {  	[tilespmem:s9], [sflag:$0x2] =	stream.linear.gather [hbm4b:s29+s8], $0x8, $0x38;
	[tilespmem:$0x9580] =	vst v63  }
0xb: {  	s30 =	sand.u32 $0x1000, s8;
	s8 =	sand.u32 $0x380, s8  }
0xc: {  	v0 =	vimm.f32 $0.0e+00;
	s7 =	sor.u32 s8, s30  }
0xd: {  	[tilespmem:s7+$0x1D70] =	vst v0  }
0xe: {  	[tilespmem:s7+$0x1100] =	vst v0  }
0xf: {  	[tilespmem:s7+$0x1110] =	vst v0  }
0x10: {  	[tilespmem:s7+$0x1120] =	vst v0  }
0x11: {  	[tilespmem:s7+$0x1130] =	vst v0  }
0x12: {  	[tilespmem:s7+$0x1140] =	vst v0  }
0x13: {  	[tilespmem:s7+$0x1150] =	vst v0  }
0x14: {  	[tilespmem:s7+$0x1160] =	vst v0  }
0x15: {  	[tilespmem:s7+$0x1170] =	vst v0  }
0x16: {  	[tilespmem:s7+$0x1500] =	vst v0  }
0x17: {  	[tilespmem:s7+$0x1510] =	vst v0  }
0x18: {  	[tilespmem:s7+$0x1520] =	vst v0  }
0x19: {  	[tilespmem:s7+$0x1530] =	vst v0  }
0x1a: {  	[tilespmem:s7+$0x1540] =	vst v0  }
0x1b: {  	[tilespmem:s7+$0x1550] =	vst v0  }
0x1c: {  	[tilespmem:s7+$0x1560] =	vst v0  }
0x1d: {  	[tilespmem:s7+$0x1570] =	vst v0  }
0x1e: {  	[tilespmem:s7+$0x1900] =	vst v0  }
0x1f: {  	[tilespmem:s7+$0x1910] =	vst v0  }
0x20: {  	[tilespmem:s7+$0x1920] =	vst v0  }
0x21: {  	[tilespmem:s7+$0x1930] =	vst v0  }
0x22: {  	[tilespmem:s7+$0x1940] =	vst v0  }
0x23: {  	[tilespmem:s7+$0x1950] =	vst v0  }
0x24: {  	[tilespmem:s7+$0x1960] =	vst v0  }
0x25: {  	[tilespmem:s7+$0x1970] =	vst v0  }
0x26: {  	[tilespmem:s7+$0x1D00] =	vst v0  }
0x27: {  	[tilespmem:s7+$0x1D10] =	vst v0  }
0x28: {  	[tilespmem:s7+$0x1D20] =	vst v0  }
0x29: {  	[tilespmem:s7+$0x1D30] =	vst v0  }
0x2a: {  	s31 =	simm.s32 $0x200;
	s8 =	simm.s32 $0x80;
	[tilespmem:s7+$0x1D40] =	vst v0  }
0x2b: {  	s10 =	sand.u32 $0x1000, s31;
	s9 =	simm.s32 $0x400;
	s11 =	sand.u32 $0x380, s8;
	[tilespmem:s7+$0x1D50] =	vst v0  }
.LBB2_1:
0x2c: {  	p0 =	sne.s32 s9, $0x1E00;
	[tilespmem:s7+$0x1D60] =	vst v0;
	s7 =	sor.u32 s11, s10  }
0x2d: {  	[tilespmem:s7+$0x1D70] =	vst v0  }
0x2e: {  	[tilespmem:s7+$0x1100] =	vst v0  }
0x2f: {  	[tilespmem:s7+$0x1110] =	vst v0  }
0x30: {  	[tilespmem:s7+$0x1120] =	vst v0  }
0x31: {  	[tilespmem:s7+$0x1130] =	vst v0  }
0x32: {  	[tilespmem:s7+$0x1140] =	vst v0  }
0x33: {  	[tilespmem:s7+$0x1150] =	vst v0  }
0x34: {  	[tilespmem:s7+$0x1160] =	vst v0  }
0x35: {  	[tilespmem:s7+$0x1170] =	vst v0  }
0x36: {  	[tilespmem:s7+$0x1500] =	vst v0  }
0x37: {  	[tilespmem:s7+$0x1510] =	vst v0  }
0x38: {  	[tilespmem:s7+$0x1520] =	vst v0  }
0x39: {  	[tilespmem:s7+$0x1530] =	vst v0  }
0x3a: {  	[tilespmem:s7+$0x1540] =	vst v0  }
0x3b: {  	[tilespmem:s7+$0x1550] =	vst v0  }
0x3c: {  	[tilespmem:s7+$0x1560] =	vst v0  }
0x3d: {  	[tilespmem:s7+$0x1570] =	vst v0  }
0x3e: {  	[tilespmem:s7+$0x1900] =	vst v0  }
0x3f: {  	[tilespmem:s7+$0x1910] =	vst v0  }
0x40: {  	[tilespmem:s7+$0x1920] =	vst v0  }
0x41: {  	[tilespmem:s7+$0x1930] =	vst v0  }
0x42: {  	[tilespmem:s7+$0x1940] =	vst v0  }
0x43: {  	[tilespmem:s7+$0x1950] =	vst v0  }
0x44: {  	[tilespmem:s7+$0x1960] =	vst v0  }
0x45: {  	[tilespmem:s7+$0x1970] =	vst v0  }
0x46: {  	[tilespmem:s7+$0x1D00] =	vst v0  }
.Ltmp0:
0x47: {  	[tilespmem:s7+$0x1D10] =	vst v0;
	(pc) =	sbr.rel @p0 .LBB2_1-.Ltmp0, $4  }
0x48: {  	[tilespmem:s7+$0x1D20] =	vst v0  }
0x49: {  	[tilespmem:s7+$0x1D30] =	vst v0  }
0x4a: {  	s8 =	sadd.s32 $0x80, s8;
	[tilespmem:s7+$0x1D40] =	vst v0  }
0x4b: {  	s10 =	sand.u32 $0x1000, s9;
	s9 =	sadd.s32 $0x200, s9;
	s11 =	sand.u32 $0x380, s8;
	[tilespmem:s7+$0x1D50] =	vst v0  }
0x4c: {  	s8 =	sor.u32 s11, s10;
	[tilespmem:s7+$0x1D60] =	vst v0  }
0x4d: {  	[tilespmem:s8+$0x1D70] =	vst v0  }
0x4e: {  	[tilespmem:s8+$0x1100] =	vst v0  }
0x4f: {  	[tilespmem:s8+$0x1110] =	vst v0  }
0x50: {  	[tilespmem:s8+$0x1120] =	vst v0  }
0x51: {  	[tilespmem:s8+$0x1130] =	vst v0  }
0x52: {  	[tilespmem:s8+$0x1140] =	vst v0  }
0x53: {  	[tilespmem:s8+$0x1150] =	vst v0  }
0x54: {  	[tilespmem:s8+$0x1160] =	vst v0  }
0x55: {  	[tilespmem:s8+$0x1170] =	vst v0  }
0x56: {  	[tilespmem:s8+$0x1500] =	vst v0  }
0x57: {  	[tilespmem:s8+$0x1510] =	vst v0  }
0x58: {  	[tilespmem:s8+$0x1520] =	vst v0  }
0x59: {  	[tilespmem:s8+$0x1530] =	vst v0  }
0x5a: {  	[tilespmem:s8+$0x1540] =	vst v0  }
0x5b: {  	[tilespmem:s8+$0x1550] =	vst v0  }
0x5c: {  	[tilespmem:s8+$0x1560] =	vst v0  }
0x5d: {  	[tilespmem:s8+$0x1570] =	vst v0  }
0x5e: {  	[tilespmem:s8+$0x1900] =	vst v0  }
0x5f: {  	[tilespmem:s8+$0x1910] =	vst v0  }
0x60: {  	[tilespmem:s8+$0x1920] =	vst v0  }
0x61: {  	[tilespmem:s8+$0x1930] =	vst v0  }
0x62: {  	[tilespmem:s8+$0x1940] =	vst v0  }
0x63: {  	[tilespmem:s8+$0x1950] =	vst v0  }
0x64: {  	[tilespmem:s8+$0x1960] =	vst v0  }
0x65: {  	[tilespmem:s8+$0x1970] =	vst v0  }
0x66: {  	[tilespmem:s8+$0x1D00] =	vst v0  }
0x67: {  	[tilespmem:s8+$0x1D10] =	vst v0  }
0x68: {  	[tilespmem:s8+$0x1D20] =	vst v0  }
0x69: {  	[tilespmem:s8+$0x1D30] =	vst v0  }
0x6a: {  	[tilespmem:s8+$0x1D40] =	vst v0  }
0x6b: {  	[tilespmem:s8+$0x1D50] =	vst v0  }
0x6c: {  	s30 =	simm.s32 $0x1;
	[tilespmem:s8+$0x1D60] =	vst v0  }
0x6d: {  	_ =	swait.ge [sflag:s30], $0x1000  }
0x6e: {  	[sflag:s30] =	ssyncset.done $0x0  }
0x6f: {  	s31 =	simm.s32 $0x2;
	[sflag:s30] =	ssyncadd.s32 $0xFFFFF000  }
0x70: {  	v0 =	vlaneseq.u32;
	_ =	swait.ge [sflag:s31], $0x8  }
0x71: {  	v1 =	vor.u32 $0x10, v0;
	[sflag:s31] =	ssyncset.done $0x0  }
0x72: {  	s7 =	simm.s32 $0x0;
	v2 =	vor.u32 $0x20, v0;
	v3 =	vor.u32 $0x30, v0;
	v4 =	vor.u32 $0x40, v0;
	[sflag:s31] =	ssyncadd.s32 $0xFFFFFFF8  }
0x73: {  	s9 =	simm.s32 $0x1100;
	s10 =	simm.s32 $0x0;
	s8 =	simm.s32 $0x40;
	v6 =	vor.u32 $0x50, v0;
	v7 =	vor.u32 $0x60, v0;
	v8 =	vor.u32 $0x70, v0;
	v5 =	vld [tilespmem:$0x1000]  }
.LBB2_3:
0x74: {  	s11 =	sshll.u32 s10, $0x7  }
0x75: {  	s11 =	sand.u32 $0x3FFFFF80, s11  }
0x76: {  	v9 =	vld [tilespmem:s11+$0x0]  }
0x77: {  	v10 =	vld [tilespmem:s11+$0x10];
	_ =	sdelay $0x1  }
0x78: {  	v11 =	vld [tilespmem:s11+$0x20];
	_ =	sdelay $0x1  }
0x79: {  	v12 =	vld [tilespmem:s11+$0x30]  }
0x7a: {  	v9 =	vmul.f32 v9, v9;
	v10 =	vmul.f32 v10, v10  }
0x7b: {  	v13 =	vld [tilespmem:s11+$0x40]  }
0x7c: {  	v9 =	vadd.f32 v10, v9;
	v10 =	vmul.f32 v11, v11  }
0x7d: {  	v11 =	vld [tilespmem:s11+$0x50]  }
0x7e: {  	v9 =	vadd.f32 v10, v9;
	v10 =	vmul.f32 v12, v12  }
0x7f: {  	v12 =	vld [tilespmem:s11+$0x60]  }
0x80: {  	v9 =	vadd.f32 v10, v9;
	v10 =	vmul.f32 v13, v13  }
0x81: {  	v13 =	vld [tilespmem:s11+$0x70]  }
0x82: {  	v9 =	vadd.f32 v10, v9;
	v10 =	vmul.f32 v11, v11  }
0x83: {  	v11 =	vld [tilespmem:s11+$0x400]  }
0x84: {  	v9 =	vadd.f32 v10, v9;
	v10 =	vmul.f32 v12, v12  }
0x85: {  	v12 =	vld [tilespmem:s11+$0x410]  }
0x86: {  	v9 =	vadd.f32 v10, v9;
	v10 =	vmul.f32 v13, v13  }
0x87: {  	v13 =	vld [tilespmem:s11+$0x420]  }
0x88: {  	v9 =	vadd.f32 v10, v9;
	v10 =	vmul.f32 v11, v11  }
0x89: {  	v11 =	vld [tilespmem:s11+$0x430]  }
0x8a: {  	v9 =	vadd.f32 v10, v9;
	v10 =	vmul.f32 v12, v12  }
0x8b: {  	v12 =	vld [tilespmem:s11+$0x440]  }
0x8c: {  	v9 =	vadd.f32 v10, v9;
	v10 =	vmul.f32 v13, v13  }
0x8d: {  	v13 =	vld [tilespmem:s11+$0x450]  }
0x8e: {  	v9 =	vadd.f32 v10, v9;
	v10 =	vmul.f32 v11, v11  }
0x8f: {  	v11 =	vld [tilespmem:s11+$0x460]  }
0x90: {  	v9 =	vadd.f32 v10, v9;
	v10 =	vmul.f32 v12, v12  }
0x91: {  	v12 =	vld [tilespmem:s11+$0x470]  }
0x92: {  	v9 =	vadd.f32 v10, v9;
	v10 =	vmul.f32 v13, v13  }
0x93: {  	v13 =	vld [tilespmem:s11+$0x800]  }
0x94: {  	v9 =	vadd.f32 v10, v9;
	v10 =	vmul.f32 v11, v11  }
0x95: {  	v11 =	vld [tilespmem:s11+$0x810]  }
0x96: {  	v9 =	vadd.f32 v10, v9;
	v10 =	vmul.f32 v12, v12  }
0x97: {  	v12 =	vld [tilespmem:s11+$0x820]  }
0x98: {  	v9 =	vadd.f32 v10, v9;
	v10 =	vmul.f32 v13, v13  }
0x99: {  	v13 =	vld [tilespmem:s11+$0x830]  }
0x9a: {  	v9 =	vadd.f32 v10, v9;
	v10 =	vmul.f32 v11, v11  }
0x9b: {  	v11 =	vld [tilespmem:s11+$0x840]  }
0x9c: {  	v9 =	vadd.f32 v10, v9;
	v10 =	vmul.f32 v12, v12  }
0x9d: {  	v12 =	vld [tilespmem:s11+$0x850]  }
0x9e: {  	v9 =	vadd.f32 v10, v9;
	v10 =	vmul.f32 v13, v13  }
0x9f: {  	v13 =	vld [tilespmem:s11+$0x860]  }
0xa0: {  	v9 =	vadd.f32 v10, v9;
	v10 =	vmul.f32 v11, v11  }
0xa1: {  	v11 =	vld [tilespmem:s11+$0x870]  }
0xa2: {  	v9 =	vadd.f32 v10, v9;
	v10 =	vmul.f32 v12, v12  }
0xa3: {  	v12 =	vld [tilespmem:s11+$0xC00]  }
0xa4: {  	v9 =	vadd.f32 v10, v9;
	v10 =	vmul.f32 v13, v13  }
0xa5: {  	v13 =	vld [tilespmem:s11+$0xC10]  }
0xa6: {  	v9 =	vadd.f32 v10, v9;
	v10 =	vmul.f32 v11, v11  }
0xa7: {  	v11 =	vld [tilespmem:s11+$0xC20]  }
0xa8: {  	v9 =	vadd.f32 v10, v9;
	v10 =	vmul.f32 v12, v12  }
0xa9: {  	v12 =	vld [tilespmem:s11+$0xC30]  }
0xaa: {  	v9 =	vadd.f32 v10, v9;
	v10 =	vmul.f32 v13, v13  }
0xab: {  	v13 =	vld [tilespmem:s11+$0xC40]  }
0xac: {  	v9 =	vadd.f32 v10, v9;
	v10 =	vmul.f32 v11, v11  }
0xad: {  	v11 =	vld [tilespmem:s11+$0xC50]  }
0xae: {  	v9 =	vadd.f32 v10, v9;
	v10 =	vmul.f32 v12, v12  }
0xaf: {  	v12 =	vld [tilespmem:s11+$0xC60]  }
0xb0: {  	v9 =	vadd.f32 v10, v9;
	v10 =	vmul.f32 v13, v13  }
0xb1: {  	v13 =	vld [tilespmem:s11+$0xC70]  }
0xb2: {  	v9 =	vadd.f32 v10, v9;
	v10 =	vmul.f32 v11, v11;
	_ =	sdelay $0x1  }
0xb3: {  	v9 =	vadd.f32 v10, v9;
	v10 =	vmul.f32 v12, v12;
	_ =	sdelay $0x1  }
0xb4: {  	v9 =	vadd.f32 v10, v9;
	v10 =	vmul.f32 v13, v13;
	_ =	sdelay $0x1  }
0xb5: {  	v9 =	vadd.f32 v10, v9;
	_ =	sdelay $0x1  }
0xb6: {  	(xrf2) =	vadd.scan.msk.f32 $0xffff, v9;
	_ =	sdelay $0x9  }
0xb7: {  	v9, _, _ =	vpop (xrf2)  }
0xb8: {  	v9 =	vbroadcast v9, $0xF;
	_ =	sdelay $0x1  }
0xb9: {  	v10 =	vshra.s32 v9, $0x1;
	v11 =	vmul.f32 $5.000000000e-01, v9  }
0xba: {  	v10 =	vsub.s32 $0x5F3759DF, v10  }
0xbb: {  	v12 =	vmul.f32 v10, v11;
	_ =	sdelay $0x1  }
0xbc: {  	v12 =	vmul.f32 v10, v12;
	_ =	sdelay $0x1  }
0xbd: {  	v12 =	vsub.f32 $1.500000000e+00, v12;
	_ =	sdelay $0x1  }
0xbe: {  	v10 =	vmul.f32 v10, v12  }
0xbf: {  	v12 =	vmov s10  }
0xc0: {  	vm0 =	veq.s32 v12, v0;
	v13 =	vmul.f32 v10, v11  }
0xc1: {  	v12 =	vnsel vm0, $0x0, v5  }
0xc2: {  	(xrf0) =	vadd.scan.msk.s32 $0xffff, v12;
	v13 =	vmul.f32 v13, v10;
	_ =	sdelay $0x1  }
0xc3: {  	v12 =	vsub.f32 $1.500000000e+00, v13;
	_ =	sdelay $0x1  }
0xc4: {  	v12 =	vmul.f32 v12, v10;
	_ =	sdelay $0x1  }
0xc5: {  	v10 =	vmul.f32 v12, v11;
	v11, _, _ =	vpop (xrf0)  }
0xc6: {  	v13 =	vmov s7;
	v11 =	vbroadcast v11, $0xF  }
0xc7: {  	v13 =	vshrl.u32 v13, $0x7  }
0xc8: {  	v10 =	vmul.f32 v10, v12;
	v14 =	vshll.u32 v11, $0x9;
	v11 =	vshll.u32 v11, $0x7  }
0xc9: {  	v13 =	vshll.u32 v13, $0xA;
	v14 =	vand.u32 $0xFFFFF000, v14;
	v11 =	vand.u32 $0x380, v11  }
0xca: {  	v18 =	vbroadcast v13, $0x0;
	v15 =	vsub.f32 $1.500000000e+00, v10;
	v17 =	vor.u32 v11, v14;
	v11 =	vld [tilespmem:s8+$0xFFFFFFC0]  }
0xcb: {  	v10 =	vor.u32 v0, v17  }
0xcc: {  	v12 =	vmul.f32 v15, v12;
	v13 =	vor.u32 v10, v18  }
0xcd: {  	vm15 =	veq.f32 v9, $0.0e+00  }
0xce: {  	v9 =	vsel vm15, $0x0, v12  }
0xcf: {  	v11 =	vmul.f32 v11, v9;
	_ =	sdelay $0x1  }
0xd0: {  	[tilespmem:v13+s9+$0x0] =	vst.idx.add.f32.msk $0xffff, v11  }
0xd1: {  	v12 =	vld [tilespmem:s8+$0xFFFFFFD0]  }
0xd2: {  	v11 =	vor.u32 v1, v17  }
0xd3: {  	v13 =	vadd.s32 v11, v18;
	_ =	sdelay $0x2  }
0xd4: {  	v12 =	vmul.f32 v12, v9;
	_ =	sdelay $0x1  }
0xd5: {  	[tilespmem:v13+s9+$0x0] =	vst.idx.add.f32.msk $0xffff, v12  }
0xd6: {  	v13 =	vld [tilespmem:s8+$0xFFFFFFE0]  }
0xd7: {  	v12 =	vor.u32 v2, v17  }
0xd8: {  	v14 =	vadd.s32 v12, v18;
	_ =	sdelay $0x2  }
0xd9: {  	v13 =	vmul.f32 v13, v9;
	_ =	sdelay $0x1  }
0xda: {  	[tilespmem:v14+s9+$0x0] =	vst.idx.add.f32.msk $0xffff, v13  }
0xdb: {  	v14 =	vld [tilespmem:s8+$0xFFFFFFF0]  }
0xdc: {  	v13 =	vor.u32 v3, v17  }
0xdd: {  	v15 =	vadd.s32 v13, v18;
	_ =	sdelay $0x2  }
0xde: {  	v14 =	vmul.f32 v14, v9;
	_ =	sdelay $0x1  }
0xdf: {  	[tilespmem:v15+s9+$0x0] =	vst.idx.add.f32.msk $0xffff, v14  }
0xe0: {  	v15 =	vld [tilespmem:s8+$0x0]  }
0xe1: {  	v14 =	vor.u32 v4, v17  }
0xe2: {  	v16 =	vadd.s32 v14, v18;
	_ =	sdelay $0x2  }
0xe3: {  	v15 =	vmul.f32 v15, v9;
	_ =	sdelay $0x1  }
0xe4: {  	[tilespmem:v16+s9+$0x0] =	vst.idx.add.f32.msk $0xffff, v15  }
0xe5: {  	v16 =	vld [tilespmem:s8+$0x10]  }
0xe6: {  	v15 =	vor.u32 v6, v17  }
0xe7: {  	v19 =	vadd.s32 v15, v18;
	_ =	sdelay $0x2  }
0xe8: {  	v16 =	vmul.f32 v16, v9;
	_ =	sdelay $0x1  }
0xe9: {  	[tilespmem:v19+s9+$0x0] =	vst.idx.add.f32.msk $0xffff, v16  }
0xea: {  	v19 =	vld [tilespmem:s8+$0x20]  }
0xeb: {  	v16 =	vor.u32 v7, v17  }
0xec: {  	v20 =	vadd.s32 v16, v18;
	_ =	sdelay $0x2  }
0xed: {  	v19 =	vmul.f32 v19, v9;
	_ =	sdelay $0x1  }
0xee: {  	[tilespmem:v20+s9+$0x0] =	vst.idx.add.f32.msk $0xffff, v19  }
0xef: {  	v19 =	vld [tilespmem:s8+$0x30]  }
0xf0: {  	v17 =	vor.u32 v8, v17  }
0xf1: {  	v18 =	vadd.s32 v17, v18;
	_ =	sdelay $0x1  }
0xf2: {  	s11 =	simm.s32 $0x80  }
0xf3: {  	v20 =	vmov s11;
	v19 =	vmul.f32 v19, v9  }
0xf4: {  	s12 =	simm.s32 $0x8;
	s13 =	smov.u32 s8;
	v20 =	vshrl.u32 v20, $0x7  }
.LBB2_4:
0xf5: {  	s12 =	sadd.s32 $0x8, s12;
	v20 =	vshll.u32 v20, $0xA;
	[tilespmem:v18+s9+$0x0] =	vst.idx.add.f32.msk $0xffff, v19;
	s13 =	sadd.s32 $0x400, s13  }
0xf6: {  	p0 =	slt.u32 s12, $0x18;
	v18 =	vld [tilespmem:s13+$0xFFFFFFC0];
	v19 =	vbroadcast v20, $0x0;
	_ =	sdelay $0x1  }
0xf7: {  	v20 =	vor.u32 v10, v19;
	_ =	sdelay $0x2  }
0xf8: {  	v18 =	vmul.f32 v18, v9;
	_ =	sdelay $0x1  }
0xf9: {  	[tilespmem:v20+s9+$0x0] =	vst.idx.add.f32.msk $0xffff, v18  }
0xfa: {  	v18 =	vld [tilespmem:s13+$0xFFFFFFD0];
	_ =	sdelay $0x1  }
0xfb: {  	v20 =	vadd.s32 v11, v19;
	_ =	sdelay $0x2  }
0xfc: {  	v18 =	vmul.f32 v18, v9;
	_ =	sdelay $0x1  }
0xfd: {  	[tilespmem:v20+s9+$0x0] =	vst.idx.add.f32.msk $0xffff, v18  }
0xfe: {  	v18 =	vld [tilespmem:s13+$0xFFFFFFE0];
	_ =	sdelay $0x1  }
0xff: {  	v20 =	vadd.s32 v12, v19;
	_ =	sdelay $0x2  }
0x100: {  	v18 =	vmul.f32 v18, v9;
	_ =	sdelay $0x1  }
0x101: {  	[tilespmem:v20+s9+$0x0] =	vst.idx.add.f32.msk $0xffff, v18  }
0x102: {  	v18 =	vld [tilespmem:s13+$0xFFFFFFF0];
	_ =	sdelay $0x1  }
0x103: {  	v20 =	vadd.s32 v13, v19;
	_ =	sdelay $0x2  }
0x104: {  	v18 =	vmul.f32 v18, v9;
	_ =	sdelay $0x1  }
0x105: {  	[tilespmem:v20+s9+$0x0] =	vst.idx.add.f32.msk $0xffff, v18  }
0x106: {  	v18 =	vld [tilespmem:s13+$0x0];
	_ =	sdelay $0x1  }
0x107: {  	v20 =	vadd.s32 v14, v19;
	_ =	sdelay $0x2  }
0x108: {  	v18 =	vmul.f32 v18, v9;
	_ =	sdelay $0x1  }
0x109: {  	[tilespmem:v20+s9+$0x0] =	vst.idx.add.f32.msk $0xffff, v18  }
0x10a: {  	v18 =	vld [tilespmem:s13+$0x10];
	_ =	sdelay $0x1  }
0x10b: {  	v20 =	vadd.s32 v15, v19;
	_ =	sdelay $0x2  }
0x10c: {  	v18 =	vmul.f32 v18, v9;
	_ =	sdelay $0x1  }
0x10d: {  	[tilespmem:v20+s9+$0x0] =	vst.idx.add.f32.msk $0xffff, v18  }
0x10e: {  	v18 =	vld [tilespmem:s13+$0x20];
	_ =	sdelay $0x1  }
0x10f: {  	v20 =	vadd.s32 v16, v19;
	_ =	sdelay $0x2  }
0x110: {  	v18 =	vmul.f32 v18, v9;
	_ =	sdelay $0x1  }
0x111: {  	[tilespmem:v20+s9+$0x0] =	vst.idx.add.f32.msk $0xffff, v18  }
0x112: {  	v20 =	vld [tilespmem:s13+$0x30];
	_ =	sdelay $0x1  }
.Ltmp1:
0x113: {  	v18 =	vadd.s32 v17, v19;
	(pc) =	sbr.rel @p0 .LBB2_4-.Ltmp1, $4  }
0x114: {  	_ = 	snop  }
0x115: {  	s11 =	sadd.s32 $0x80, s11  }
0x116: {  	v21 =	vmov s11;
	v19 =	vmul.f32 v20, v9  }
0x117: {  	v20 =	vshrl.u32 v21, $0x7  }
0x118: {  	_ =	sdelay $0x3  }
0x119: {  	v20 =	vshll.u32 v20, $0xA;
	[tilespmem:v18+s9+$0x0] =	vst.idx.add.f32.msk $0xffff, v19;
	s11 =	sadd.s32 $0x400, s13  }
0x11a: {  	v18 =	vld [tilespmem:s11+$0xFFFFFFC0];
	v63 =	vbroadcast v20, $0x0;
	_ =	sdelay $0x1  }
0x11b: {  	v10 =	vor.u32 v10, v63;
	_ =	sdelay $0x2  }
0x11c: {  	v18 =	vmul.f32 v18, v9;
	_ =	sdelay $0x1  }
0x11d: {  	[tilespmem:v10+s9+$0x0] =	vst.idx.add.f32.msk $0xffff, v18  }
0x11e: {  	v10 =	vld [tilespmem:s11+$0xFFFFFFD0];
	_ =	sdelay $0x1  }
0x11f: {  	v11 =	vadd.s32 v11, v63;
	_ =	sdelay $0x2  }
0x120: {  	v10 =	vmul.f32 v10, v9;
	_ =	sdelay $0x1  }
0x121: {  	[tilespmem:v11+s9+$0x0] =	vst.idx.add.f32.msk $0xffff, v10  }
0x122: {  	v10 =	vld [tilespmem:s11+$0xFFFFFFE0];
	_ =	sdelay $0x1  }
0x123: {  	v11 =	vadd.s32 v12, v63;
	_ =	sdelay $0x2  }
0x124: {  	v10 =	vmul.f32 v10, v9;
	_ =	sdelay $0x1  }
0x125: {  	[tilespmem:v11+s9+$0x0] =	vst.idx.add.f32.msk $0xffff, v10  }
0x126: {  	v10 =	vld [tilespmem:s11+$0xFFFFFFF0];
	_ =	sdelay $0x1  }
0x127: {  	v11 =	vadd.s32 v13, v63;
	_ =	sdelay $0x2  }
0x128: {  	v10 =	vmul.f32 v10, v9;
	_ =	sdelay $0x1  }
0x129: {  	[tilespmem:v11+s9+$0x0] =	vst.idx.add.f32.msk $0xffff, v10  }
0x12a: {  	v10 =	vld [tilespmem:s11+$0x0];
	_ =	sdelay $0x1  }
0x12b: {  	v11 =	vadd.s32 v14, v63;
	_ =	sdelay $0x2  }
0x12c: {  	v10 =	vmul.f32 v10, v9;
	_ =	sdelay $0x1  }
0x12d: {  	[tilespmem:v11+s9+$0x0] =	vst.idx.add.f32.msk $0xffff, v10  }
0x12e: {  	v10 =	vld [tilespmem:s11+$0x10];
	_ =	sdelay $0x1  }
0x12f: {  	v11 =	vadd.s32 v15, v63;
	_ =	sdelay $0x2  }
0x130: {  	v10 =	vmul.f32 v10, v9;
	_ =	sdelay $0x1  }
0x131: {  	[tilespmem:v11+s9+$0x0] =	vst.idx.add.f32.msk $0xffff, v10  }
0x132: {  	v10 =	vld [tilespmem:s11+$0x20];
	_ =	sdelay $0x1  }
0x133: {  	v11 =	vadd.s32 v16, v63;
	_ =	sdelay $0x2  }
0x134: {  	v10 =	vmul.f32 v10, v9;
	_ =	sdelay $0x1  }
0x135: {  	[tilespmem:v11+s9+$0x0] =	vst.idx.add.f32.msk $0xffff, v10  }
0x136: {  	v10 =	vld [tilespmem:s11+$0x30]  }
0x137: {  	s10 =	sadd.s32 $0x1, s10  }
0x138: {  	p0 =	sne.s32 s10, $0x8;
	v11 =	vadd.s32 v17, v63  }
.Ltmp2:
0x139: {  	_ = 	snop;
	(pc) =	sbr.rel @p0 .LBB2_3-.Ltmp2, $3  }
0x13a: {  	_ = 	snop  }
0x13b: {  	v9 =	vmul.f32 v10, v9;
	_ =	sdelay $0x1  }
0x13c: {  	s8 =	sadd.s32 $0x80, s8;
	[tilespmem:v11+s9+$0x0] =	vst.idx.add.f32.msk $0xffff, v9  }
0x13d: {  	s7 =	sshll.u32 s4, $0xD  }
0x13e: {  	s8 =	simm.s32 $0x1100;
	s10 =	simm.s32 $0x4;
	s7 =	sadd.s32 s7, s5  }
0x13f: {  	[spmem:s7] =	stream.linear.scatter [tilespmem:s8], [sflag:$0x4], $0x2000, $0x38;
	[tilespmem:$0x9580] =	vst v63  }
0x140: {  	s11 =	sshll.u32 s4, $0x7;
	s6 =	sand.u32 $0x1000, s6;
	_ =	swait.ge [sflag:s10], $0x2000  }
0x141: {  	s13 =	simm.s32 $0x80;
	s8 =	sand.u32 $0x380, s11;
	[sflag:s10] =	ssyncset.done $0x0  }
0x142: {  	s14 =	simm.s32 $0x2000;
	s6 =	sor.u32 s8, s6;
	[sflag:s10] =	ssyncadd.s32 $0xFFFFE000  }
0x143: {  	s9 =	simm.s32 $0x3100;
	s12 =	sadd.s32 s6, s5;
	[bflag:$0x0] =	sbarrier.arrive $0xFFFF  }
0x144: {  	[tilespmem:s9], [sflag:$0x5] =	stream.strided.gather [spmem:s12], $0x400, s14, s13, $0x38;
	[tilespmem:$0x9580] =	vst v63  }
0x145: {  	s15 =	sadd.s32 $0x400, s12;
	s10 =	simm.s32 $0x3500  }
0x146: {  	[tilespmem:s10], [sflag:$0x5] =	stream.strided.gather [spmem:s15], $0x400, s14, s13, $0x38;
	[tilespmem:$0x9580] =	vst v63  }
0x147: {  	s17 =	simm.s32 $0x3900;
	s16 =	sadd.s32 $0x800, s12  }
0x148: {  	[tilespmem:s17], [sflag:$0x5] =	stream.strided.gather [spmem:s16], $0x400, s14, s13, $0x38;
	[tilespmem:$0x9580] =	vst v63  }
0x149: {  	s19 =	simm.s32 $0x3D00;
	s18 =	sadd.s32 $0xC00, s12  }
0x14a: {  	[tilespmem:s19], [sflag:$0x5] =	stream.strided.gather [spmem:s18], $0x400, s14, s13, $0x38;
	[tilespmem:$0x9580] =	vst v63  }
0x14b: {  	s21 =	simm.s32 $0x4100;
	s20 =	sadd.s32 $0x10000, s12  }
0x14c: {  	[tilespmem:s21], [sflag:$0x5] =	stream.strided.gather [spmem:s20], $0x400, s14, s13, $0x38;
	[tilespmem:$0x9580] =	vst v63  }
0x14d: {  	s23 =	simm.s32 $0x4500;
	s22 =	sadd.s32 $0x10400, s12  }
0x14e: {  	[tilespmem:s23], [sflag:$0x5] =	stream.strided.gather [spmem:s22], $0x400, s14, s13, $0x38;
	[tilespmem:$0x9580] =	vst v63  }
0x14f: {  	s25 =	simm.s32 $0x4900;
	s24 =	sadd.s32 $0x10800, s12  }
0x150: {  	[tilespmem:s25], [sflag:$0x5] =	stream.strided.gather [spmem:s24], $0x400, s14, s13, $0x38;
	[tilespmem:$0x9580] =	vst v63  }
0x151: {  	s26 =	simm.s32 $0x4D00;
	s5 =	sadd.s32 $0x10C00, s12  }
0x152: {  	[tilespmem:s26], [sflag:$0x5] =	stream.strided.gather [spmem:s5], $0x400, s14, s13, $0x38;
	[tilespmem:$0x9580] =	vst v63  }
0x153: {  	s28 =	simm.s32 $0x5;
	s5 =	simm.s32 $0x0  }
0x154: {  	_ =	swait.ge [sflag:s28], $0x2000;
	s29 =	sand.u32 $0xC00, s5  }
0x155: {  	s30 =	sand.u32 $0x60, s5;
	[sflag:s28] =	ssyncset.done $0x0;
	s31 =	sor.u32 $0x3100, s29  }
0x156: {  	[sflag:s28] =	ssyncadd.s32 $0xFFFFE000;
	s13 =	sor.u32 s30, s31  }
0x157: {  	v0 =	vld [tilespmem:s13+$0x0]  }
0x158: {  	v1 =	vld [tilespmem:s13+$0x80];
	_ =	sdelay $0x1  }
0x159: {  	v2 =	vld [tilespmem:s13+$0x100];
	_ =	sdelay $0x1  }
0x15a: {  	v3 =	vld [tilespmem:s13+$0x180]  }
0x15b: {  	v0 =	vadd.f32 v1, v0  }
0x15c: {  	v1 =	vld [tilespmem:s13+$0x200]  }
0x15d: {  	v0 =	vadd.f32 v2, v0  }
0x15e: {  	v2 =	vld [tilespmem:s13+$0x280]  }
0x15f: {  	v0 =	vadd.f32 v3, v0  }
0x160: {  	v3 =	vld [tilespmem:s13+$0x300]  }
0x161: {  	v0 =	vadd.f32 v1, v0  }
0x162: {  	s11 =	sor.u32 $0x4100, s29;
	v1 =	vld [tilespmem:s13+$0x380]  }
0x163: {  	s14 =	sor.u32 s30, s11;
	v0 =	vadd.f32 v2, v0  }
0x164: {  	s12 =	sor.u32 $0x4180, s29;
	v2 =	vld [tilespmem:s14+$0x0]  }
0x165: {  	s15 =	sor.u32 s30, s12;
	v0 =	vadd.f32 v3, v0  }
0x166: {  	s14 =	sor.u32 $0x4200, s29;
	v3 =	vld [tilespmem:s15+$0x0]  }
0x167: {  	s16 =	sor.u32 s30, s14;
	v0 =	vadd.f32 v1, v0  }
0x168: {  	s15 =	sor.u32 $0x4280, s29;
	v1 =	vld [tilespmem:s16+$0x0]  }
0x169: {  	s17 =	sor.u32 s30, s15;
	v0 =	vadd.f32 v2, v0  }
0x16a: {  	s16 =	sor.u32 $0x4300, s29;
	v2 =	vld [tilespmem:s17+$0x0]  }
0x16b: {  	s18 =	sor.u32 s30, s16;
	v0 =	vadd.f32 v3, v0  }
0x16c: {  	s17 =	sor.u32 $0x4380, s29;
	v3 =	vld [tilespmem:s18+$0x0]  }
0x16d: {  	s19 =	sor.u32 s30, s17;
	v0 =	vadd.f32 v1, v0  }
0x16e: {  	s18 =	sadd.s32 $0x4400, s29;
	v1 =	vld [tilespmem:s19+$0x0]  }
0x16f: {  	s20 =	sor.u32 s30, s18;
	v0 =	vadd.f32 v2, v0  }
0x170: {  	s19 =	sadd.s32 $0x4480, s29;
	v2 =	vld [tilespmem:s20+$0x0]  }
0x171: {  	s21 =	sor.u32 s30, s19;
	v0 =	vadd.f32 v3, v0  }
0x172: {  	v3 =	vld [tilespmem:s21+$0x0]  }
0x173: {  	v0 =	vadd.f32 v1, v0;
	_ =	sdelay $0x1  }
0x174: {  	v0 =	vadd.f32 v2, v0;
	_ =	sdelay $0x1  }
0x175: {  	v0 =	vadd.f32 v3, v0  }
0x176: {  	s22 =	simm.s32 $0x5100;
	s13 =	sor.u32 $0x10, s30  }
0x177: {  	s23 =	sor.u32 s13, s31;
	[tilespmem:s22+$0x0] =	vst v0  }
0x178: {  	v0 =	vld [tilespmem:s23+$0x0]  }
0x179: {  	v1 =	vld [tilespmem:s23+$0x80];
	_ =	sdelay $0x1  }
0x17a: {  	v2 =	vld [tilespmem:s23+$0x100];
	_ =	sdelay $0x1  }
0x17b: {  	v3 =	vld [tilespmem:s23+$0x180]  }
0x17c: {  	v0 =	vadd.f32 v1, v0  }
0x17d: {  	v1 =	vld [tilespmem:s23+$0x200]  }
0x17e: {  	v0 =	vadd.f32 v2, v0  }
0x17f: {  	v2 =	vld [tilespmem:s23+$0x280]  }
0x180: {  	v0 =	vadd.f32 v3, v0  }
0x181: {  	v3 =	vld [tilespmem:s23+$0x300]  }
0x182: {  	v0 =	vadd.f32 v1, v0  }
0x183: {  	v1 =	vld [tilespmem:s23+$0x380]  }
0x184: {  	s24 =	sor.u32 s13, s11;
	v0 =	vadd.f32 v2, v0  }
0x185: {  	v2 =	vld [tilespmem:s24+$0x0]  }
0x186: {  	s25 =	sor.u32 s13, s12;
	v0 =	vadd.f32 v3, v0  }
0x187: {  	v3 =	vld [tilespmem:s25+$0x0]  }
0x188: {  	s26 =	sor.u32 s13, s14;
	v0 =	vadd.f32 v1, v0  }
0x189: {  	v1 =	vld [tilespmem:s26+$0x0]  }
0x18a: {  	s28 =	sor.u32 s13, s15;
	v0 =	vadd.f32 v2, v0  }
0x18b: {  	v2 =	vld [tilespmem:s28+$0x0]  }
0x18c: {  	s29 =	sor.u32 s13, s16;
	v0 =	vadd.f32 v3, v0  }
0x18d: {  	v3 =	vld [tilespmem:s29+$0x0]  }
0x18e: {  	s30 =	sor.u32 s13, s17;
	v0 =	vadd.f32 v1, v0  }
0x18f: {  	v1 =	vld [tilespmem:s30+$0x0]  }
0x190: {  	v0 =	vadd.f32 v2, v0  }
0x191: {  	s31 =	sor.u32 s13, s18  }
0x192: {  	v2 =	vld [tilespmem:s31+$0x0];
	v0 =	vadd.f32 v3, v0  }
0x193: {  	s9 =	sor.u32 s13, s19  }
0x194: {  	v1 =	vadd.f32 v1, v0;
	v0 =	vld [tilespmem:s9+$0x0];
	_ =	sdelay $0x1  }
0x195: {  	s7 =	simm.s32 $0x5120;
	s8 =	simm.s32 $0x2  }
0x196: {  	s10 =	sand.u32 $0x180, s5;
	s5 =	simm.s32 $0x20;
	s9 =	simm.s32 $0x100;
	v1 =	vadd.f32 v2, v1  }
.LBB2_7:
0x197: {  	s19 =	sand.u32 $0x60, s5;
	s11 =	sand.u32 $0xC00, s9;
	s13 =	sor.u32 s13, s10  }
0x198: {  	s20 =	sor.u32 $0x3100, s11;
	s18 =	sor.u32 $0x4100, s11;
	s17 =	sor.u32 $0x4180, s11;
	v0 =	vadd.f32 v0, v1  }
0x199: {  	s16 =	sor.u32 $0x4200, s11;
	s15 =	sor.u32 $0x4280, s11;
	s21 =	sor.u32 s19, s20  }
0x19a: {  	s14 =	sor.u32 $0x4300, s11;
	s12 =	sor.u32 $0x4380, s11;
	s10 =	sadd.s32 $0x4400, s11;
	[tilespmem:s13+$0x5100] =	vst v0  }
0x19b: {  	s8 =	sadd.s32 $0x2, s8;
	s11 =	sadd.s32 $0x4480, s11;
	v0 =	vld [tilespmem:s21+$0x0]  }
0x19c: {  	p0 =	slt.u32 s8, $0x1E;
	v1 =	vld [tilespmem:s21+$0x80];
	_ =	sdelay $0x1  }
0x19d: {  	v2 =	vld [tilespmem:s21+$0x100];
	_ =	sdelay $0x1  }
0x19e: {  	v3 =	vld [tilespmem:s21+$0x180]  }
0x19f: {  	v0 =	vadd.f32 v1, v0  }
0x1a0: {  	v1 =	vld [tilespmem:s21+$0x200]  }
0x1a1: {  	v0 =	vadd.f32 v2, v0  }
0x1a2: {  	v2 =	vld [tilespmem:s21+$0x280]  }
0x1a3: {  	v0 =	vadd.f32 v3, v0  }
0x1a4: {  	v3 =	vld [tilespmem:s21+$0x300]  }
0x1a5: {  	v0 =	vadd.f32 v1, v0  }
0x1a6: {  	v1 =	vld [tilespmem:s21+$0x380]  }
0x1a7: {  	s13 =	sor.u32 s19, s18;
	v0 =	vadd.f32 v2, v0  }
0x1a8: {  	v2 =	vld [tilespmem:s13+$0x0]  }
0x1a9: {  	s13 =	sor.u32 s19, s17;
	v0 =	vadd.f32 v3, v0  }
0x1aa: {  	v3 =	vld [tilespmem:s13+$0x0]  }
0x1ab: {  	s13 =	sor.u32 s19, s16;
	v0 =	vadd.f32 v1, v0  }
0x1ac: {  	v1 =	vld [tilespmem:s13+$0x0]  }
0x1ad: {  	s13 =	sor.u32 s19, s15;
	v0 =	vadd.f32 v2, v0  }
0x1ae: {  	v2 =	vld [tilespmem:s13+$0x0]  }
0x1af: {  	s13 =	sor.u32 s19, s14;
	v0 =	vadd.f32 v3, v0  }
0x1b0: {  	v3 =	vld [tilespmem:s13+$0x0]  }
0x1b1: {  	s13 =	sor.u32 s19, s12;
	v0 =	vadd.f32 v1, v0  }
0x1b2: {  	v1 =	vld [tilespmem:s13+$0x0]  }
0x1b3: {  	s13 =	sor.u32 s19, s10;
	v0 =	vadd.f32 v2, v0  }
0x1b4: {  	v2 =	vld [tilespmem:s13+$0x0]  }
0x1b5: {  	s13 =	sor.u32 s19, s11;
	v0 =	vadd.f32 v3, v0  }
0x1b6: {  	v3 =	vld [tilespmem:s13+$0x0]  }
0x1b7: {  	v0 =	vadd.f32 v1, v0;
	_ =	sdelay $0x1  }
0x1b8: {  	v0 =	vadd.f32 v2, v0;
	_ =	sdelay $0x1  }
0x1b9: {  	v0 =	vadd.f32 v3, v0  }
0x1ba: {  	s13 =	sor.u32 $0x10, s19  }
0x1bb: {  	s19 =	sor.u32 s13, s20;
	[tilespmem:s7+$0x0] =	vst v0  }
0x1bc: {  	v0 =	vld [tilespmem:s19+$0x0]  }
0x1bd: {  	v1 =	vld [tilespmem:s19+$0x80];
	_ =	sdelay $0x1  }
0x1be: {  	v2 =	vld [tilespmem:s19+$0x100]  }
0x1bf: {  	v3 =	vld [tilespmem:s19+$0x180];
	_ =	sdelay $0x1  }
0x1c0: {  	v0 =	vadd.f32 v1, v0;
	v1 =	vld [tilespmem:s19+$0x200];
	_ =	sdelay $0x1  }
0x1c1: {  	v0 =	vadd.f32 v2, v0;
	v2 =	vld [tilespmem:s19+$0x280];
	_ =	sdelay $0x1  }
0x1c2: {  	v0 =	vadd.f32 v3, v0;
	v3 =	vld [tilespmem:s19+$0x300];
	_ =	sdelay $0x1  }
0x1c3: {  	v0 =	vadd.f32 v1, v0;
	v1 =	vld [tilespmem:s19+$0x380]  }
0x1c4: {  	s18 =	sor.u32 s13, s18  }
0x1c5: {  	v0 =	vadd.f32 v2, v0;
	v2 =	vld [tilespmem:s18+$0x0]  }
0x1c6: {  	s17 =	sor.u32 s13, s17  }
0x1c7: {  	v0 =	vadd.f32 v3, v0;
	v3 =	vld [tilespmem:s17+$0x0]  }
0x1c8: {  	s16 =	sor.u32 s13, s16  }
0x1c9: {  	v0 =	vadd.f32 v1, v0;
	v1 =	vld [tilespmem:s16+$0x0]  }
0x1ca: {  	s15 =	sor.u32 s13, s15  }
0x1cb: {  	v0 =	vadd.f32 v2, v0;
	v2 =	vld [tilespmem:s15+$0x0]  }
0x1cc: {  	s14 =	sor.u32 s13, s14  }
0x1cd: {  	v0 =	vadd.f32 v3, v0;
	v3 =	vld [tilespmem:s14+$0x0]  }
0x1ce: {  	s12 =	sor.u32 s13, s12  }
0x1cf: {  	v0 =	vadd.f32 v1, v0;
	v1 =	vld [tilespmem:s12+$0x0]  }
0x1d0: {  	s10 =	sor.u32 s13, s10  }
0x1d1: {  	v0 =	vadd.f32 v2, v0;
	v2 =	vld [tilespmem:s10+$0x0]  }
0x1d2: {  	s10 =	sor.u32 s13, s11  }
.Ltmp3:
0x1d3: {  	v3 =	vadd.f32 v3, v0;
	v0 =	vld [tilespmem:s10+$0x0];
	(pc) =	sbr.rel @p0 .LBB2_7-.Ltmp3, $4  }
0x1d4: {  	_ = 	snop  }
0x1d5: {  	v1 =	vadd.f32 v1, v3  }
0x1d6: {  	s7 =	sadd.s32 $0x20, s7  }
0x1d7: {  	s9 =	sadd.s32 $0x100, s9;
	s10 =	sand.u32 $0x180, s5;
	s5 =	sadd.s32 $0x20, s5;
	v1 =	vadd.f32 v2, v1  }
0x1d8: {  	_ = 	snop  }
0x1d9: {  	s8 =	sand.u32 $0xC00, s9;
	v0 =	vadd.f32 v0, v1  }
0x1da: {  	s20 =	sand.u32 $0x60, s5;
	s10 =	sor.u32 s13, s10;
	s11 =	sor.u32 $0x3100, s8  }
0x1db: {  	s12 =	sor.u32 s20, s11;
	[tilespmem:s10+$0x5100] =	vst v0  }
0x1dc: {  	v0 =	vld [tilespmem:s12+$0x0]  }
0x1dd: {  	v36 =	vld [tilespmem:s12+$0x80];
	_ =	sdelay $0x1  }
0x1de: {  	v2 =	vld [tilespmem:s12+$0x100];
	_ =	sdelay $0x1  }
0x1df: {  	v3 =	vld [tilespmem:s12+$0x180]  }
0x1e0: {  	v0 =	vadd.f32 v36, v0  }
0x1e1: {  	v37 =	vld [tilespmem:s12+$0x200]  }
0x1e2: {  	v0 =	vadd.f32 v2, v0  }
0x1e3: {  	v38 =	vld [tilespmem:s12+$0x280]  }
0x1e4: {  	v0 =	vadd.f32 v3, v0  }
0x1e5: {  	v39 =	vld [tilespmem:s12+$0x300]  }
0x1e6: {  	v0 =	vadd.f32 v37, v0  }
0x1e7: {  	s21 =	sor.u32 $0x4100, s8;
	v40 =	vld [tilespmem:s12+$0x380]  }
0x1e8: {  	s22 =	sor.u32 s20, s21;
	v0 =	vadd.f32 v38, v0  }
0x1e9: {  	s23 =	sor.u32 $0x4180, s8;
	v41 =	vld [tilespmem:s22+$0x0]  }
0x1ea: {  	s24 =	sor.u32 s20, s23;
	v0 =	vadd.f32 v39, v0  }
0x1eb: {  	s14 =	sor.u32 $0x4200, s8;
	v42 =	vld [tilespmem:s24+$0x0]  }
0x1ec: {  	s25 =	sor.u32 s20, s14;
	v0 =	vadd.f32 v40, v0  }
0x1ed: {  	s15 =	sor.u32 $0x4280, s8;
	v43 =	vld [tilespmem:s25+$0x0]  }
0x1ee: {  	s26 =	sor.u32 s20, s15;
	v0 =	vadd.f32 v41, v0  }
0x1ef: {  	s16 =	sor.u32 $0x4300, s8;
	v44 =	vld [tilespmem:s26+$0x0]  }
0x1f0: {  	s28 =	sor.u32 s20, s16;
	v0 =	vadd.f32 v42, v0  }
0x1f1: {  	s17 =	sor.u32 $0x4380, s8;
	v45 =	vld [tilespmem:s28+$0x0]  }
0x1f2: {  	s29 =	sor.u32 s20, s17;
	v0 =	vadd.f32 v43, v0  }
0x1f3: {  	s18 =	sadd.s32 $0x4400, s8;
	v46 =	vld [tilespmem:s29+$0x0]  }
0x1f4: {  	s30 =	sor.u32 s20, s18;
	v0 =	vadd.f32 v44, v0  }
0x1f5: {  	s8 =	sadd.s32 $0x4480, s8;
	v47 =	vld [tilespmem:s30+$0x0]  }
0x1f6: {  	s31 =	sor.u32 s20, s8;
	v0 =	vadd.f32 v45, v0  }
0x1f7: {  	v48 =	vld [tilespmem:s31+$0x0]  }
0x1f8: {  	v0 =	vadd.f32 v46, v0;
	_ =	sdelay $0x1  }
0x1f9: {  	v0 =	vadd.f32 v47, v0;
	_ =	sdelay $0x1  }
0x1fa: {  	v0 =	vadd.f32 v48, v0  }
0x1fb: {  	s9 =	sor.u32 $0x10, s20  }
0x1fc: {  	s12 =	sor.u32 s9, s11;
	[tilespmem:s7+$0x0] =	vst v0  }
0x1fd: {  	v0 =	vld [tilespmem:s12+$0x0]  }
0x1fe: {  	v49 =	vld [tilespmem:s12+$0x80];
	_ =	sdelay $0x1  }
0x1ff: {  	v50 =	vld [tilespmem:s12+$0x100];
	_ =	sdelay $0x1  }
0x200: {  	v51 =	vld [tilespmem:s12+$0x180]  }
0x201: {  	v0 =	vadd.f32 v49, v0  }
0x202: {  	v52 =	vld [tilespmem:s12+$0x200]  }
0x203: {  	v0 =	vadd.f32 v50, v0  }
0x204: {  	v53 =	vld [tilespmem:s12+$0x280]  }
0x205: {  	v0 =	vadd.f32 v51, v0  }
0x206: {  	v54 =	vld [tilespmem:s12+$0x300]  }
0x207: {  	v0 =	vadd.f32 v52, v0  }
0x208: {  	v55 =	vld [tilespmem:s12+$0x380]  }
0x209: {  	s19 =	sor.u32 s9, s21;
	v0 =	vadd.f32 v53, v0  }
0x20a: {  	v56 =	vld [tilespmem:s19+$0x0]  }
0x20b: {  	s20 =	sor.u32 s9, s23;
	v0 =	vadd.f32 v54, v0  }
0x20c: {  	v57 =	vld [tilespmem:s20+$0x0]  }
0x20d: {  	s21 =	sor.u32 s9, s14;
	v0 =	vadd.f32 v55, v0  }
0x20e: {  	v58 =	vld [tilespmem:s21+$0x0]  }
0x20f: {  	s22 =	sor.u32 s9, s15;
	v0 =	vadd.f32 v56, v0  }
0x210: {  	v59 =	vld [tilespmem:s22+$0x0]  }
0x211: {  	s23 =	sor.u32 s9, s16;
	v0 =	vadd.f32 v57, v0  }
0x212: {  	v60 =	vld [tilespmem:s23+$0x0]  }
0x213: {  	s24 =	sor.u32 s9, s17;
	v0 =	vadd.f32 v58, v0  }
0x214: {  	v61 =	vld [tilespmem:s24+$0x0]  }
0x215: {  	s25 =	sor.u32 s9, s18;
	v0 =	vadd.f32 v59, v0  }
0x216: {  	v62 =	vld [tilespmem:s25+$0x0]  }
0x217: {  	s26 =	sor.u32 s9, s8;
	v0 =	vadd.f32 v60, v0  }
0x218: {  	v63 =	vld [tilespmem:s26+$0x0]  }
0x219: {  	v0 =	vadd.f32 v61, v0;
	_ =	sdelay $0x1  }
0x21a: {  	v0 =	vadd.f32 v62, v0;
	_ =	sdelay $0x1  }
0x21b: {  	s28 =	sand.u32 $0x180, s5;
	v0 =	vadd.f32 v63, v0  }
0x21c: {  	s6 =	sadd.s32 s6, s3;
	s29 =	simm.s32 $0x80;
	s5 =	sor.u32 s9, s28  }
0x21d: {  	s30 =	simm.s32 $0x400;
	s31 =	simm.s32 $0x5100;
	[tilespmem:s5+$0x5100] =	vst v0;
	s5 =	simm.s32 $0x5  }
0x21e: {  	[spmem:s6] =	stream.strided.scatter [tilespmem:s31], [sflag:$0x5], $0x200, s30, s29, $0x38;
	[tilespmem:$0x9580] =	vst v63  }
0x21f: {  	_ =	swait.ge [sflag:s5], $0x200  }
0x220: {  	[sflag:s5] =	ssyncset.done $0x0  }
0x221: {  	[sflag:s5] =	ssyncadd.s32 $0xFFFFFE00  }
0x222: {  	p0 =	sne.s32 s4, $0x0;
	[bflag:$0x0] =	sbarrier.arrive $0xFFFF  }
0x223: {  	_ =	sfence.sel @p0 $0x180000  }
0x224: {  	[bflag:$0x0] =	sbarrier.arrive @p0 $0xFFFF  }
0x225: {  	_ =	strace @p0 $0x90000047  }
0x226: {  	[bflag:$0x2] =	sbarrier.arrive @p0 $0xFFFF  }
0x227: {  	_ =	shalt @p0  }
.LBB2_9:
0x228: {  	s4 =	simm.s32 $0x0;
	s6 =	simm.s32 $0x1080  }
0x229: {  	[tilespmem:s6], [sflag:$0x3] =	stream.linear.gather [hbm4b:s2+s4], $0x80, $0x38;
	[tilespmem:$0x9580] =	vst v63  }
0x22a: {  	s29 =	simm.s32 $0x5300  }
0x22b: {  	[tilespmem:s29], [sflag:$0x5] =	stream.linear.gather [spmem:s3], $0x2000, $0x38;
	[tilespmem:$0x9580] =	vst v63  }
0x22c: {  	_ =	swait.ge [sflag:s5], $0x2000  }
0x22d: {  	s30 =	sand.u32 $0x70, s4;
	s31 =	sand.u32 $0xC00, s4;
	[sflag:s5] =	ssyncset.done $0x0  }
0x22e: {  	s2 =	sor.u32 s30, s31;
	[sflag:s5] =	ssyncadd.s32 $0xFFFFE000  }
0x22f: {  	v0 =	vld [tilespmem:s2+$0x5300];
	_ =	sdelay $0x1  }
0x230: {  	v1 =	vld [tilespmem:s2+$0x5380];
	_ =	sdelay $0x1  }
0x231: {  	v2 =	vld [tilespmem:s2+$0x5400]  }
0x232: {  	v3 =	vmul.f32 v0, v0;
	v4 =	vadd.f32 $0.0e+00, v0  }
0x233: {  	v5 =	vld [tilespmem:s2+$0x5480];
	v0 =	vimm.f32 $0.0e+00  }
0x234: {  	v6 =	vmul.f32 v1, v1;
	v3 =	vadd.f32 v3, v0;
	v1 =	vadd.f32 v1, v4  }
0x235: {  	v4 =	vld [tilespmem:s2+$0x5500]  }
0x236: {  	v3 =	vadd.f32 v6, v3;
	v6 =	vmul.f32 v2, v2;
	v1 =	vadd.f32 v2, v1  }
0x237: {  	v2 =	vld [tilespmem:s2+$0x5580]  }
0x238: {  	v3 =	vadd.f32 v6, v3;
	v6 =	vmul.f32 v5, v5;
	v1 =	vadd.f32 v5, v1  }
0x239: {  	v5 =	vld [tilespmem:s2+$0x5600]  }
0x23a: {  	v3 =	vadd.f32 v6, v3;
	v6 =	vmul.f32 v4, v4;
	v1 =	vadd.f32 v4, v1  }
0x23b: {  	v4 =	vld [tilespmem:s2+$0x5680]  }
0x23c: {  	v3 =	vadd.f32 v6, v3;
	v6 =	vmul.f32 v2, v2;
	v1 =	vadd.f32 v2, v1  }
0x23d: {  	v2 =	vld [tilespmem:s2+$0x6300]  }
0x23e: {  	v3 =	vadd.f32 v6, v3;
	v6 =	vmul.f32 v5, v5;
	v1 =	vadd.f32 v5, v1  }
0x23f: {  	v5 =	vld [tilespmem:s2+$0x6380]  }
0x240: {  	v3 =	vadd.f32 v6, v3;
	v6 =	vmul.f32 v4, v4;
	v1 =	vadd.f32 v4, v1  }
0x241: {  	v4 =	vld [tilespmem:s2+$0x6400]  }
0x242: {  	v3 =	vadd.f32 v6, v3;
	v6 =	vmul.f32 v2, v2;
	v1 =	vadd.f32 v2, v1  }
0x243: {  	v7 =	vld [tilespmem:s2+$0x6480]  }
0x244: {  	v3 =	vadd.f32 v6, v3;
	v6 =	vmul.f32 v5, v5;
	v1 =	vadd.f32 v5, v1  }
0x245: {  	v2 =	vld [tilespmem:s2+$0x6500]  }
0x246: {  	v5 =	vmul.f32 v4, v4;
	v3 =	vadd.f32 v6, v3;
	v4 =	vadd.f32 v4, v1  }
0x247: {  	v1 =	vld [tilespmem:s2+$0x6580]  }
0x248: {  	v6 =	vmul.f32 v7, v7;
	v5 =	vadd.f32 v5, v3;
	v3 =	vadd.f32 v7, v4  }
0x249: {  	s3 =	simm.s32 $0x10;
	s5 =	simm.s32 $0x20;
	v4 =	vld [tilespmem:s2+$0x6600]  }
.LBB2_10:
0x24a: {  	p0 =	sne.s32 s5, $0x1F0;
	v5 =	vadd.f32 v6, v5;
	v6 =	vmul.f32 v2, v2;
	v2 =	vadd.f32 v2, v3;
	s4 =	sadd.s32 $0x80, s4  }
0x24b: {  	s6 =	sand.u32 $0x70, s3;
	s3 =	smov.u32 s5;
	s7 =	sand.u32 $0xC00, s4;
	v3 =	vld [tilespmem:s2+$0x6680]  }
0x24c: {  	s2 =	sor.u32 s6, s7;
	v5 =	vadd.f32 v6, v5;
	v6 =	vmul.f32 v1, v1;
	v1 =	vadd.f32 v1, v2  }
0x24d: {  	v2 =	vld [tilespmem:s2+$0x5300]  }
0x24e: {  	v5 =	vadd.f32 v6, v5;
	v6 =	vmul.f32 v4, v4;
	v1 =	vadd.f32 v4, v1  }
0x24f: {  	v4 =	vld [tilespmem:s2+$0x5380]  }
0x250: {  	v5 =	vadd.f32 v6, v5;
	v6 =	vmul.f32 v3, v3;
	v1 =	vadd.f32 v3, v1  }
0x251: {  	v3 =	vld [tilespmem:s2+$0x5400]  }
0x252: {  	v7 =	vmul.f32 v2, v2;
	v2 =	vadd.f32 $0.0e+00, v2;
	v5 =	vadd.f32 v6, v5  }
0x253: {  	v1 =	vmul.f32 v1, v1;
	v6 =	vld [tilespmem:s2+$0x5480]  }
0x254: {  	v5 =	vadd.f32 v7, v5;
	v7 =	vmul.f32 v4, v4;
	v2 =	vadd.f32 v4, v2  }
0x255: {  	v0 =	vadd.f32 v1, v0;
	v4 =	vld [tilespmem:s2+$0x5500]  }
0x256: {  	v1 =	vadd.f32 v7, v5;
	v5 =	vmul.f32 v3, v3;
	v2 =	vadd.f32 v3, v2  }
0x257: {  	v3 =	vld [tilespmem:s2+$0x5580]  }
0x258: {  	v1 =	vadd.f32 v5, v1;
	v5 =	vmul.f32 v6, v6;
	v2 =	vadd.f32 v6, v2  }
0x259: {  	v6 =	vld [tilespmem:s2+$0x5600]  }
0x25a: {  	v1 =	vadd.f32 v5, v1;
	v5 =	vmul.f32 v4, v4;
	v2 =	vadd.f32 v4, v2  }
0x25b: {  	v4 =	vld [tilespmem:s2+$0x5680]  }
0x25c: {  	v1 =	vadd.f32 v5, v1;
	v5 =	vmul.f32 v3, v3;
	v2 =	vadd.f32 v3, v2  }
0x25d: {  	v3 =	vld [tilespmem:s2+$0x6300]  }
0x25e: {  	v1 =	vadd.f32 v5, v1;
	v5 =	vmul.f32 v6, v6;
	v2 =	vadd.f32 v6, v2  }
0x25f: {  	v6 =	vld [tilespmem:s2+$0x6380]  }
0x260: {  	v1 =	vadd.f32 v5, v1;
	v5 =	vmul.f32 v4, v4;
	v2 =	vadd.f32 v4, v2  }
0x261: {  	v4 =	vld [tilespmem:s2+$0x6400]  }
0x262: {  	v1 =	vadd.f32 v5, v1;
	v5 =	vmul.f32 v3, v3;
	v2 =	vadd.f32 v3, v2  }
0x263: {  	v3 =	vld [tilespmem:s2+$0x6480]  }
0x264: {  	v1 =	vadd.f32 v5, v1;
	v5 =	vmul.f32 v6, v6;
	v6 =	vadd.f32 v6, v2  }
.Ltmp4:
0x265: {  	v2 =	vld [tilespmem:s2+$0x6500];
	(pc) =	sbr.rel @p0 .LBB2_10-.Ltmp4, $4  }
0x266: {  	v5 =	vadd.f32 v5, v1;
	v7 =	vmul.f32 v4, v4;
	v4 =	vadd.f32 v4, v6  }
0x267: {  	v1 =	vld [tilespmem:s2+$0x6580]  }
0x268: {  	v5 =	vadd.f32 v7, v5;
	v6 =	vmul.f32 v3, v3;
	v3 =	vadd.f32 v3, v4  }
0x269: {  	s5 =	sadd.s32 $0x10, s5;
	v4 =	vld [tilespmem:s2+$0x6600]  }
0x26a: {  	v5 =	vadd.f32 v6, v5;
	v6 =	vmul.f32 v2, v2;
	s4 =	sadd.s32 $0x80, s4  }
0x26b: {  	s3 =	sand.u32 $0x70, s3;
	v7 =	vld [tilespmem:s2+$0x6680];
	s4 =	sand.u32 $0xC00, s4  }
0x26c: {  	s26 =	sor.u32 s3, s4;
	v5 =	vadd.f32 v6, v5;
	v6 =	vmul.f32 v1, v1  }
0x26d: {  	v8 =	vld [tilespmem:s26+$0x5300]  }
0x26e: {  	v5 =	vadd.f32 v6, v5;
	v6 =	vmul.f32 v4, v4  }
0x26f: {  	v9 =	vld [tilespmem:s26+$0x5380]  }
0x270: {  	v5 =	vadd.f32 v6, v5;
	v6 =	vmul.f32 v7, v7  }
0x271: {  	v10 =	vld [tilespmem:s26+$0x5400]  }
0x272: {  	v11 =	vmul.f32 v8, v8;
	v5 =	vadd.f32 v6, v5  }
0x273: {  	v6 =	vld [tilespmem:s26+$0x5480]  }
0x274: {  	v8 =	vadd.f32 $0.0e+00, v8;
	v5 =	vadd.f32 v11, v5;
	v11 =	vmul.f32 v9, v9  }
0x275: {  	v12 =	vld [tilespmem:s26+$0x5500]  }
0x276: {  	v8 =	vadd.f32 v9, v8;
	v9 =	vmul.f32 v10, v10;
	v5 =	vadd.f32 v11, v5  }
0x277: {  	v11 =	vld [tilespmem:s26+$0x5580]  }
0x278: {  	v8 =	vadd.f32 v10, v8;
	v5 =	vadd.f32 v9, v5;
	v9 =	vmul.f32 v6, v6  }
0x279: {  	v10 =	vld [tilespmem:s26+$0x5600]  }
0x27a: {  	v6 =	vadd.f32 v6, v8;
	v8 =	vmul.f32 v12, v12;
	v5 =	vadd.f32 v9, v5  }
0x27b: {  	v9 =	vld [tilespmem:s26+$0x5680]  }
0x27c: {  	v6 =	vadd.f32 v12, v6;
	v5 =	vadd.f32 v8, v5;
	v8 =	vmul.f32 v11, v11  }
0x27d: {  	v12 =	vld [tilespmem:s26+$0x6300]  }
0x27e: {  	v13 =	vld [tilespmem:s26+$0x6380];
	v6 =	vadd.f32 v11, v6;
	v5 =	vadd.f32 v8, v5;
	v8 =	vmul.f32 v10, v10  }
0x27f: {  	v14 =	vld [tilespmem:s26+$0x6480]  }
0x280: {  	v15 =	vld [tilespmem:s26+$0x6580];
	v6 =	vadd.f32 v10, v6;
	v5 =	vadd.f32 v8, v5;
	v8 =	vmul.f32 v9, v9  }
0x281: {  	v11 =	vld [tilespmem:s26+$0x6400]  }
0x282: {  	v16 =	vld [tilespmem:s26+$0x6680];
	v6 =	vadd.f32 v9, v6;
	v5 =	vadd.f32 v8, v5;
	v8 =	vmul.f32 v12, v12  }
0x283: {  	s28 =	simm.s32 $0x3;
	v10 =	vld [tilespmem:s26+$0x6500]  }
0x284: {  	v9 =	vld [tilespmem:s26+$0x6600];
	_ =	swait.ge [sflag:s28], $0x80;
	v6 =	vadd.f32 v12, v6;
	v5 =	vadd.f32 v8, v5;
	v8 =	vmul.f32 v13, v13  }
0x285: {  	v2 =	vadd.f32 v2, v3;
	[sflag:s28] =	ssyncset.done $0x0  }
0x286: {  	[sflag:s28] =	ssyncadd.s32 $0xFFFFFF80;
	v3 =	vadd.f32 v13, v6;
	v6 =	vmul.f32 v11, v11;
	v5 =	vadd.f32 v8, v5  }
0x287: {  	v1 =	vadd.f32 v1, v2;
	v2 =	vld [tilespmem:$0x1080]  }
0x288: {  	v8 =	vadd.f32 v11, v3;
	v3 =	vld [tilespmem:$0x1090];
	v5 =	vadd.f32 v6, v5;
	v6 =	vmul.f32 v14, v14  }
0x289: {  	v1 =	vadd.f32 v4, v1  }
0x28a: {  	v4 =	vadd.f32 v14, v8;
	v6 =	vadd.f32 v6, v5;
	v5 =	vld [tilespmem:$0x10A0]  }
0x28b: {  	v7 =	vadd.f32 v7, v1  }
0x28c: {  	s29 =	simm.s32 $0x0;
	v1 =	vimm.f32 $0.0e+00;
	v8 =	vmul.f32 v10, v10;
	v10 =	vadd.f32 v10, v4;
	v4 =	vld [tilespmem:$0x10B0]  }
0x28d: {  	v12 =	vmul.f32 v15, v15;
	vm0 =	veq.s32 v2, s29;
	vm1 =	veq.s32 v3, s29  }
0x28e: {  	v11 =	vadd.f32 v8, v6;
	v6 =	vld [tilespmem:$0x10C0];
	v8 =	vsel vm0, $0x3F800000, v1;
	v13 =	vsel vm1, $0x3F800000, v1  }
0x28f: {  	v14 =	vmul.f32 v7, v7;
	v13 =	vadd.f32 v13, v8;
	vm0 =	veq.s32 v5, s29  }
0x290: {  	v10 =	vadd.f32 v15, v10;
	v8 =	vld [tilespmem:$0x10D0];
	v11 =	vadd.f32 v12, v11;
	v12 =	vsel vm0, $0x3F800000, v1  }
0x291: {  	v14 =	vadd.f32 v14, v0;
	vm0 =	veq.s32 v4, s29;
	v12 =	vadd.f32 v13, v12  }
0x292: {  	s30 =	simm.s32 $0x1;
	v7 =	vld [tilespmem:$0x10E0];
	v0 =	vadd.f32 v9, v10;
	v13 =	vmul.f32 v9, v9;
	v9 =	vsel vm0, $0x3F800000, v1  }
0x293: {  	vm2 =	veq.s32 v2, s30;
	vm0 =	veq.s32 v6, s29;
	v9 =	vadd.f32 v12, v9  }
0x294: {  	v10 =	vadd.f32 v13, v11;
	v12 =	vadd.f32 v16, v0;
	v0 =	vld [tilespmem:$0x10F0];
	v13 =	vsel vm0, $0x3F800000, v1  }
0x295: {  	s31 =	simm.s32 $0x2;
	vm3 =	veq.s32 v3, s30;
	vm0 =	veq.s32 v8, s29;
	v9 =	vadd.f32 v9, v13  }
0x296: {  	v15 =	vsel vm2, $0x3F800000, v1;
	vm2 =	veq.s32 v2, s31;
	v13 =	vsel vm0, $0x3F800000, v1  }
0x297: {  	vm1 =	veq.s32 v7, s29;
	v9 =	vadd.f32 v9, v13;
	v13 =	vsel vm3, $0x3F800000, v1  }
0x298: {  	vm0 =	veq.s32 v5, s30;
	v13 =	vadd.f32 v13, v15;
	v15 =	vsel vm1, $0x3F800000, v1  }
0x299: {  	vm1 =	veq.s32 v0, s29;
	v9 =	vadd.f32 v9, v15;
	v15 =	vsel vm0, $0x3F800000, v1  }
0x29a: {  	vm0 =	veq.s32 v4, s30;
	v13 =	vadd.f32 v13, v15;
	v15 =	vsel vm1, $0x3F800000, v1  }
0x29b: {  	v11 =	vmul.f32 v16, v16;
	v15 =	vadd.f32 v9, v15;
	v9 =	vsel vm0, $0x3F800000, v1  }
0x29c: {  	v12 =	vmul.f32 v12, v12;
	vm0 =	veq.s32 v6, s30;
	v13 =	vadd.f32 v13, v9  }
0x29d: {  	vm3 =	veq.s32 v3, s31;
	v9 =	vadd.f32 v11, v10;
	v11 =	vsel vm0, $0x3F800000, v1  }
0x29e: {  	v10 =	vadd.f32 v12, v14;
	vm0 =	veq.s32 v8, s30;
	(xrf2) =	vadd.scan.msk.f32 $0xffff, v15;
	v11 =	vadd.f32 v13, v11  }
0x29f: {  	v14 =	vsel vm3, $0x3F800000, v1;
	v12 =	vsel vm0, $0x3F800000, v1;
	v13 =	vsel vm2, $0x3F800000, v1  }
0x2a0: {  	vm0 =	veq.s32 v5, s31;
	v11 =	vadd.f32 v11, v12;
	v12 =	vadd.f32 v14, v13  }
0x2a1: {  	v14 =	vsel vm0, $0x3F800000, v1  }
0x2a2: {  	vm1 =	veq.s32 v7, s30;
	vm0 =	veq.s32 v4, s31;
	v12 =	vadd.f32 v12, v14  }
0x2a3: {  	v13 =	vsel vm1, $0x3F800000, v1;
	v14 =	vsel vm0, $0x3F800000, v1  }
0x2a4: {  	vm1 =	veq.s32 v0, s30;
	v11 =	vadd.f32 v11, v13;
	v12 =	vadd.f32 v12, v14  }
0x2a5: {  	v13 =	vsel vm1, $0x3F800000, v1  }
0x2a6: {  	s2 =	simm.s32 $0x3;
	vm1 =	veq.s32 v6, s31;
	v11 =	vadd.f32 v11, v13  }
0x2a7: {  	vm4 =	veq.s32 v3, s2;
	v13 =	vsel vm1, $0x3F800000, v1  }
0x2a8: {  	vm5 =	veq.s32 v8, s31;
	vm3 =	veq.s32 v2, s2;
	v13 =	vadd.f32 v12, v13;
	v12, _, _ =	vpop (xrf2);
	(xrf2) =	vadd.scan.msk.f32 $0xffff, v11  }
0x2a9: {  	vm2 =	veq.s32 v5, s2;
	vm0 =	veq.s32 v0, s31;
	vm1 =	veq.s32 v7, s31  }
0x2aa: {  	s3 =	simm.s32 $0x4;
	v14 =	vsel vm5, $0x3F800000, v1;
	v11 =	vimm.f32 $0.0e+00;
	v12 =	vmul.f32 v12, v12  }
.LBB2_12:
0x2ab: {  	p0 =	sne.s32 s3, $0xF;
	v15 =	vsel vm3, $0x3F800000, v1;
	v16 =	vsel vm4, $0x3F800000, v1;
	v13 =	vadd.f32 v13, v14  }
0x2ac: {  	v14 =	vadd.f32 v16, v15;
	v15 =	vsel vm1, $0x3F800000, v1;
	v12 =	vbroadcast v12, $0xF  }
0x2ad: {  	v16 =	vsel vm2, $0x3F800000, v1;
	vm1 =	veq.s32 v4, s2;
	v13 =	vadd.f32 v13, v15  }
0x2ae: {  	v15 =	vsel vm0, $0x3F800000, v1;
	v14 =	vadd.f32 v14, v16;
	v11 =	vadd.f32 v12, v11  }
.Ltmp5:
0x2af: {  	v12 =	vsel vm1, $0x3F800000, v1;
	v13 =	vadd.f32 v13, v15;
	(pc) =	sbr.rel @p0 .LBB2_12-.Ltmp5, $4  }
0x2b0: {  	vm0 =	veq.s32 v0, s2;
	vm1 =	veq.s32 v6, s2;
	v15 =	vadd.f32 v14, v12  }
0x2b1: {  	vm5 =	veq.s32 v8, s2;
	v14 =	vsel vm1, $0x3F800000, v1;
	vm1 =	veq.s32 v7, s2;
	s2 =	smov.u32 s3;
	(xrf2) =	vadd.scan.msk.f32 $0xffff, v13  }
0x2b2: {  	vm3 =	veq.s32 v2, s3;
	vm2 =	veq.s32 v5, s3;
	v13 =	vadd.f32 v15, v14;
	v12, _, _ =	vpop (xrf2)  }
0x2b3: {  	s3 =	sadd.s32 $0x1, s3;
	vm4 =	veq.s32 v3, s2;
	v14 =	vsel vm5, $0x3F800000, v1;
	v12 =	vmul.f32 v12, v12  }
0x2b4: {  	v2 =	vsel vm3, $0x3F800000, v1;
	v3 =	vsel vm4, $0x3F800000, v1  }
0x2b5: {  	v2 =	vadd.f32 v3, v2  }
0x2b6: {  	v44 =	vsel vm2, $0x3F800000, v1  }
0x2b7: {  	vm11 =	veq.s32 v4, s2;
	v2 =	vadd.f32 v2, v44  }
0x2b8: {  	v45 =	vsel vm11, $0x3F800000, v1  }
0x2b9: {  	vm12 =	veq.s32 v6, s2;
	v2 =	vadd.f32 v2, v45  }
0x2ba: {  	v46 =	vsel vm12, $0x3F800000, v1  }
0x2bb: {  	v47 =	vadd.f32 v13, v14;
	vm13 =	veq.s32 v8, s2;
	v2 =	vadd.f32 v2, v46  }
0x2bc: {  	v48 =	vsel vm1, $0x3F800000, v1;
	v5 =	vsel vm13, $0x3F800000, v1  }
0x2bd: {  	vm14 =	veq.s32 v7, s2;
	v3 =	vadd.f32 v47, v48;
	v2 =	vadd.f32 v2, v5  }
0x2be: {  	v49 =	vsel vm0, $0x3F800000, v1;
	v50 =	vsel vm14, $0x3F800000, v1  }
0x2bf: {  	vm15 =	veq.s32 v0, s2;
	v3 =	vadd.f32 v3, v49;
	v51 =	vadd.f32 v2, v50  }
0x2c0: {  	v52 =	vsel vm15, $0x3F800000, v1  }
0x2c1: {  	(xrf2) =	vadd.scan.msk.f32 $0xffff, v3;
	v0 =	vadd.f32 v51, v52;
	_ =	sdelay $0x1  }
0x2c2: {  	(xrf2) =	vadd.scan.msk.f32 $0xffff, v0;
	_ =	sdelay $0x5  }
0x2c3: {  	v53, _, _ =	vpop (xrf2)  }
0x2c4: {  	v54 =	vbroadcast v12, $0xF;
	v0 =	vmul.f32 v53, v53  }
0x2c5: {  	v55, _, _ =	vpop (xrf2)  }
0x2c6: {  	v1 =	vadd.f32 v54, v11;
	v0 =	vbroadcast v0, $0xF;
	v2 =	vmul.f32 v55, v55  }
0x2c7: {  	v56, _, _ =	vpop (xrf2)  }
0x2c8: {  	v0 =	vadd.f32 v0, v1;
	v57 =	vbroadcast v2, $0xF;
	v58 =	vmul.f32 v56, v56;
	_ =	sdelay $0x1  }
0x2c9: {  	(xrf2) =	vadd.scan.msk.f32 $0xffff, v9;
	v0 =	vadd.f32 v57, v0;
	v59 =	vbroadcast v58, $0xF  }
0x2ca: {  	(xrf2) =	vadd.scan.msk.f32 $0xffff, v10  }
0x2cb: {  	v0 =	vadd.f32 v59, v0;
	_ =	sdelay $0x1  }
0x2cc: {  	v1 =	vsub.f32 $1.638400000e+04, v0  }
0x2cd: {  	(erf) = vrcp.f32 v0  }
0x2ce: {  	(erf) = vrcp.f32 v1;
	_ =	sdelay $0x3  }
0x2cf: {  	v60, _, _ =	vpop (xrf2)  }
0x2d0: {  	v61, _, _ =	vpop (xrf2)  }
0x2d1: {  	v1 =	vsub.f32 v61, v60;
	_ =	sdelay $0x1  }
0x2d2: {  	v0 =	vbroadcast v60, $0xF;
	v1 =	vbroadcast v1, $0xF;
	v62 =	vpop (erf)  }
0x2d3: {  	v63 =	vpop (erf)  }
0x2d4: {  	v0 =	vmul.f32 v62, v0;
	v1 =	vmul.f32 v63, v1;
	_ =	sdelay $0x1  }
0x2d5: {  	v0 =	vsub.f32 v0, v1;
	_ =	sdelay $0x1  }
0x2d6: {  	v0 =	vadd.f32 $1.000000010e-01, v0;
	_ =	sdelay $0x1  }
0x2d7: {  	v0 =	vmax.f32 v0, $0.0e+00  }
0x2d8: {  	s30 =	simm.s32 $0x0;
	s3 =	simm.s32 $0x7300;
	s31 =	simm.s32 $0x5;
	[tilespmem:$0x7300] =	vst v0  }
0x2d9: {  	[hbm4b:s1+s30] =	stream.linear.scatter [tilespmem:s3], [sflag:$0x5], $0x1, $0x38;
	[tilespmem:$0x9580] =	vst v63  }
0x2da: {  	_ =	swait.ge [sflag:s31], $0x1  }
0x2db: {  	[sflag:s31] =	ssyncset.done $0x0  }
0x2dc: {  	[sflag:s31] =	ssyncadd.s32 $0xFFFFFFFF  }
0x2dd: {  	_ =	sfence.sel $0x180000  }
0x2de: {  	[bflag:$0x0] =	sbarrier.arrive $0xFFFF  }
0x2df: {  	_ =	strace $0x90000047  }
0x2e0: {  	s0 =	sadd.s32 $0x100000, s0;
	[bflag:$0x2] =	sbarrier.arrive $0xFFFF  }
0x2e1: {  	[sflag:s0] =	ssyncadd.tile.s32 $0x1;
	_ =	shalt  }
.Lfunc_end2:
_tile_overlayer_lowered:
.L_overlay_start_2:
0x2e2: {  	(tag) =	ssettag $0x2  }
0x2e3: {  	s0 =	rddreg [dreg:$0x0];
	s2 =	stileid.u32  }
0x2e4: {  	s1 =	rddreg [dreg:$0x1];
	p0 =	sne.s32 s2, $0x0  }
0x2e5: {  	s3 =	rddreg [dreg:$0x2];
	[bflag:$0x3] =	sbarrier.arrive $0xFFFF;
	s2 =	simm.s32 @!p0 $0x1C05  }
0x2e6: {  	[timem:s3], [sflag:s2] =	dma.local @!p0 [hbm:s0], s1  }
0x2e7: {  	s0 =	simm.s32 @!p0 $0x5  }
0x2e8: {  	_ =	swait.ge @!p0 [sflag:s0], s1  }
0x2e9: {  	s1 =	ssub.s32 @!p0 $0x0, s1;
	[sflag:s0] =	ssyncset.done @!p0 $0x0  }
0x2ea: {  	[sflag:s0] =	ssyncadd.s32 @!p0 s1  }
0x2eb: {  	[bflag:$0x3] =	sbarrier.arrive $0xFFFF  }
0x2ec: {  	_ =	shalt  }

</sc_bundles>
